<compile_context>
chip_gen: v7x
topology: tpu7x:2x2x1
jax: 0.10.2.dev20260603
libtpu: 0.0.44.dev20260713+nightly
codegen_flags: <defaults>
</compile_context>

<pallas_src>
import functools

import jax
import jax.numpy as jnp
from jax import lax
from jax.experimental import pallas as pl
from jax.experimental.pallas import tpu as pltpu
from jax.experimental.pallas import tpu_sc as plsc

_N = 32768
_K = 128
_C = 8
_BN = 16384
_NB = _N // _BN
_EPS = 1e-8
_NS = 16
_CA = _N // _NS
_CB = _N // 32


def _sc_d2_body(xs_hbm, ys_hbm, zs_hbm, lbl_hbm, d2_hbm,
                xs_v, ys_v, zs_v, lbl_v, d2_v, tbl_v, mtab_v, pw_v, red_v,
                shared, sem):
    s = lax.axis_index("s")
    c = lax.axis_index("c")
    base_a = s * _CA
    sl_a = pl.ds(base_a, _CA)
    c1 = pltpu.async_copy(lbl_hbm.at[sl_a], lbl_v, sem)
    c2 = pltpu.async_copy(xs_hbm.at[sl_a], xs_v, sem)
    c3 = pltpu.async_copy(ys_hbm.at[sl_a], ys_v, sem)
    c4 = pltpu.async_copy(zs_hbm.at[sl_a], zs_v, sem)
    iota = lax.iota(jnp.int32, 16)
    zeros = jnp.zeros((16,), jnp.float32)
    ones = jnp.ones((16,), jnp.float32)

    def zbody(i, _):
        tbl_v[pl.ds(i * 16, 16)] = zeros
        return 0

    lax.fori_loop(0, 32, zbody, 0)
    c1.wait()
    c2.wait()
    c3.wait()
    c4.wait()

    def abody(i, _):
        sl = pl.ds(i * 16, 16)
        lbl = lbl_v[sl]
        x = xs_v[sl]
        y = ys_v[sl]
        z = zs_v[sl]
        idx = lbl * 16 + iota
        plsc.addupdate_scatter(tbl_v, [idx], ones)
        plsc.addupdate_scatter(tbl_v, [idx + 128], x)
        plsc.addupdate_scatter(tbl_v, [idx + 256], y)
        plsc.addupdate_scatter(tbl_v, [idx + 384], z)
        return 0

    lax.fori_loop(0, _CA // 16, abody, 0)

    base16 = (iota & 7) * 16 + jnp.where(iota >= 8, 128, 0)
    pw0 = zeros
    pw1 = zeros
    for jj in range(16):
        pw0 = pw0 + plsc.load_gather(tbl_v, [base16 + jj])
        pw1 = pw1 + plsc.load_gather(tbl_v, [base16 + (jj + 256)])
    pw_v[pl.ds(0, 16)] = pw0
    pw_v[pl.ds(16, 16)] = pw1
    pltpu.sync_copy(pw_v, shared.at[pl.ds(s * 32, 32)])
    plsc.subcore_barrier()
    pltpu.sync_copy(shared, red_v)

    def rbody(w, carry):
        a0, a1 = carry
        a0 = a0 + red_v[pl.ds(w * 32, 16)]
        a1 = a1 + red_v[pl.ds(w * 32 + 16, 16)]
        return (a0, a1)

    acc0, acc1 = lax.fori_loop(0, _NS, rbody, (zeros, zeros))
    mtab_v[pl.ds(0, 16)] = acc0
    mtab_v[pl.ds(16, 16)] = acc1
    lo = iota & 7
    cnt_rep = plsc.load_gather(mtab_v, [lo])
    sx_rep = plsc.load_gather(mtab_v, [lo + 8])
    sy_rep = plsc.load_gather(mtab_v, [lo + 16])
    sz_rep = plsc.load_gather(mtab_v, [lo + 24])
    pos = cnt_rep > 0.0
    safe = jnp.where(pos, cnt_rep, ones)
    mtab_v[pl.ds(32, 16)] = jnp.where(pos, sx_rep / safe, zeros)
    mtab_v[pl.ds(48, 16)] = jnp.where(pos, sy_rep / safe, zeros)
    mtab_v[pl.ds(64, 16)] = jnp.where(pos, sz_rep / safe, zeros)

    off = c * _CB

    def bbody(i, _):
        sl = pl.ds(off + i * 16, 16)
        lbl = lbl_v[sl]
        x = xs_v[sl]
        y = ys_v[sl]
        z = zs_v[sl]
        mx = plsc.load_gather(mtab_v, [lbl + 32])
        my = plsc.load_gather(mtab_v, [lbl + 48])
        mz = plsc.load_gather(mtab_v, [lbl + 64])
        dx = x - mx
        dy = y - my
        dz = z - mz
        d2_v[pl.ds(i * 16, 16)] = dx * dx + dy * dy + dz * dz
        return 0

    lax.fori_loop(0, _CB // 16, bbody, 0)
    pltpu.sync_copy(d2_v, d2_hbm.at[pl.ds(base_a + off, _CB)])


@functools.lru_cache(maxsize=1)
def _get_sc_d2():
    return pl.kernel(
        _sc_d2_body,
        out_type=jax.ShapeDtypeStruct((_N,), jnp.float32),
        mesh=plsc.VectorSubcoreMesh(core_axis_name="c", subcore_axis_name="s"),
        scratch_types=[
            pltpu.VMEM((_CA,), jnp.float32),
            pltpu.VMEM((_CA,), jnp.float32),
            pltpu.VMEM((_CA,), jnp.float32),
            pltpu.VMEM((_CA,), jnp.int32),
            pltpu.VMEM((_CB,), jnp.float32),
            pltpu.VMEM((512,), jnp.float32),
            pltpu.VMEM((96,), jnp.float32),
            pltpu.VMEM((32,), jnp.float32),
            pltpu.VMEM((512,), jnp.float32),
            pltpu.VMEM_SHARED((512,), jnp.float32),
            pltpu.SemaphoreType.DMA,
        ],
        compiler_params=pltpu.CompilerParams(needs_layout_passes=False),
    )


def _tc_body(e_ref, lbl_ref, d2_ref, out_ref, sw_scr, cg_scr):
    j = pl.program_id(0)

    @pl.when(j == 0)
    def _init():
        sw_scr[...] = jnp.zeros_like(sw_scr)
        cg_scr[...] = jnp.zeros_like(cg_scr)

    jstart = pl.multiple_of(j * _BN, _BN)
    e = e_ref[:, pl.ds(jstart, _BN)]
    lbl = lbl_ref[:, pl.ds(jstart, _BN)]
    d2 = d2_ref[:, pl.ds(jstart, _BN)]
    cid = lax.broadcasted_iota(jnp.int32, (_C, _BN), 0)
    ohf = (jnp.broadcast_to(lbl, (_C, _BN)) == cid).astype(jnp.float32)
    eb = e.astype(jnp.bfloat16)
    nsq = lax.dot_general(
        jnp.ones((1, _K), jnp.bfloat16), eb * eb, (((1,), (0,)), ((), ())),
        preferred_element_type=jnp.float32)
    r = 1.0 / jnp.maximum(jnp.sqrt(nsq), _EPS)
    g = 1.0 / (1.0 + jnp.exp(-jnp.sqrt(d2)))
    u = g * r
    B = jnp.concatenate([ohf, ohf * u], axis=0)
    sw_scr[...] += lax.dot_general(
        B.astype(jnp.bfloat16), eb, (((1,), (1,)), ((), ())),
        preferred_element_type=jnp.float32)
    cg_scr[0:_C, :] += jnp.broadcast_to(
        jnp.sum(ohf, axis=1, keepdims=True), (_C, _K))
    cg_scr[_C:2 * _C, :] += jnp.broadcast_to(
        jnp.sum(ohf * g, axis=1, keepdims=True), (_C, _K))

    @pl.when(j == _NB - 1)
    def _final():
        SW = sw_scr[...]
        S = SW[0:_C, :]
        W = SW[_C:2 * _C, :]
        cg = cg_scr[:, 0:1]
        cnt = cg[0:_C]
        gsum = cg[_C:2 * _C]
        present = cnt > 0.0
        invcnt = jnp.where(present, 1.0 / jnp.maximum(cnt, 1.0), 0.0)
        nsqS = jnp.sum(S * S, axis=1, keepdims=True)
        nm = jnp.sqrt(nsqS) * invcnt
        ci = lax.broadcasted_iota(jnp.int32, (_C, 1), 0)
        gate = jnp.logical_and(ci >= 1, present)
        a8 = jnp.where(gate, invcnt, 0.0)
        b8 = jnp.where(gate, invcnt * invcnt / jnp.maximum(nm, _EPS), 0.0)
        rowdot = jnp.sum(S * W, axis=1, keepdims=True)
        intra = jnp.sum(a8 * gsum) - jnp.sum(b8 * rowdot)
        Cm = lax.dot_general(
            S, S, (((1,), (1,)), ((), ())), preferred_element_type=jnp.float32)
        uu = cnt * jnp.maximum(nm, _EPS)
        v = jnp.where(gate, 1.0 / jnp.maximum(uu, _EPS * _EPS), 0.0)
        ri = lax.broadcasted_iota(jnp.int32, (_C, _C), 0)
        rj = lax.broadcasted_iota(jnp.int32, (_C, _C), 1)
        D = jnp.where(ri == rj, jnp.broadcast_to(v, (_C, _C)), 0.0)
        T1 = lax.dot_general(
            D, Cm, (((1,), (0,)), ((), ())), preferred_element_type=jnp.float32)
        T2 = lax.dot_general(
            T1, D, (((1,), (0,)), ((), ())), preferred_element_type=jnp.float32)
        inter = jnp.sum(jnp.where(ri != rj, T2, 0.0))
        Mn = jnp.sum(present.astype(jnp.float32))
        loss = intra / Mn + inter / (Mn * (Mn - 1.0))
        out_ref[...] = jnp.broadcast_to(loss, (1, 1))


def _tc_loss(E, lbl2, d22):
    return pl.pallas_call(
        _tc_body,
        grid=(_NB,),
        in_specs=[
            pl.BlockSpec((_K, _N), lambda j: (0, 0)),
            pl.BlockSpec((1, _N), lambda j: (0, 0)),
            pl.BlockSpec((1, _N), lambda j: (0, 0)),
        ],
        out_specs=pl.BlockSpec((1, 1), lambda j: (0, 0)),
        out_shape=jax.ShapeDtypeStruct((1, 1), jnp.float32),
        scratch_shapes=[
            pltpu.VMEM((2 * _C, _K), jnp.float32),
            pltpu.VMEM((2 * _C, _K), jnp.float32),
        ],
        compiler_params=pltpu.CompilerParams(
            dimension_semantics=("arbitrary",)),
    )(E, lbl2, d22)


def kernel(points, embedding, true):
    E = embedding.reshape(_K, _N)
    lbl = true.reshape(_N).astype(jnp.int32)
    p0 = points.reshape(_N, 3).astype(jnp.float32)
    xs, ys, zs = p0[:, 0], p0[:, 1], p0[:, 2]
    d2 = _get_sc_d2()(xs, ys, zs, lbl)
    out = _tc_loss(E, lbl.reshape(1, _N), d2.reshape(1, _N))
    return out[0, 0]

# --- scband reference (transcript-rebuilt; emitter-appended) ---
"""Pipeline reference for scband-saloss-38989713113324 (READ-ONLY COPY).

The authoritative reference and input builder live on the scoring server;
editing this copy changes nothing except your own understanding.
"""

import jax, jax.numpy as jnp
import numpy as np


def _cosine_similarity(x1, x2, axis=1, eps=1e-8):
    x1b, x2b = jnp.broadcast_arrays(x1, x2)
    dot = jnp.sum(x1b * x2b, axis=axis)
    n1 = jnp.sqrt(jnp.sum(x1b * x1b, axis=axis))
    n2 = jnp.sqrt(jnp.sum(x2b * x2b, axis=axis))
    return dot / (jnp.maximum(n1, eps) * jnp.maximum(n2, eps))


def setup_inputs(seed: int = 0):
    key = jax.random.key(seed)
    k1, k2, k3 = jax.random.split(key, 3)
    points = jax.random.normal(k1, (1, 32768, 3), dtype=jnp.float32)
    embedding = jax.random.normal(k2, (1, 128, 32768), dtype=jnp.float32)
    true = jax.random.randint(k3, (1, 32768), 0, 8)
    return {"points": points, "embedding": embedding, "true": true}


def reference(points, embedding, true):
    num_classes = 8  # static label alphabet size from setup_inputs' randint bounds
    present = jnp.stack([jnp.any(true == i) for i in range(num_classes)])
    M = jnp.sum(present.astype(jnp.float32))
    emb = jnp.transpose(embedding, (0, 2, 1))  # (B, N, K)
    B = points.shape[0]
    intraLoss = jnp.float32(0.0)
    interLoss = jnp.float32(0.0)
    mean_emb = []
    for i in range(1, num_classes):
        mask = (true == i).astype(points.dtype)  # (1, N)
        cnt = jnp.sum(mask)
        mean_point_i = jnp.sum(points * mask[..., None], axis=1) / cnt  # (B, 3)
        g = jax.nn.sigmoid(jnp.sum((points - mean_point_i) ** 2, axis=-1) ** 0.5)  # (B, N)
        mean_emb_i = (jnp.sum(emb * mask[..., None], axis=1) / cnt)[..., None]  # (B, K, 1)
        mean_emb.append(mean_emb_i)
        intra_i = g * (1 - _cosine_similarity(jnp.transpose(emb, (0, 2, 1)), mean_emb_i, axis=1))
        contrib = jnp.sum(intra_i * mask) / (B * cnt)
        intraLoss = intraLoss + jnp.where(present[i], contrib, jnp.float32(0.0))
    mean_emb_s = jnp.stack(mean_emb, axis=1)  # (B, num_classes-1, K, 1)
    for i in range(1, num_classes):
        for j in range(1, num_classes):
            if i != j:
                term = jnp.mean(
                    _cosine_similarity(mean_emb_s[:, i - 1], mean_emb_s[:, j - 1], axis=1)
                )
                interLoss = interLoss + jnp.where(
                    present[i] & present[j], term, jnp.float32(0.0)
                )
    return intraLoss / M + interLoss / (M * (M - 1))

if __name__ == "__main__":
    import jax
    _d = setup_inputs()
    print(jax.jit(kernel)(*tuple(_d.values())))

</pallas_src>

<mosaic_0001>
#map = affine_map<(d0, d1) -> (0)>
module attributes {stable_mosaic.version = 14 : i64} {
  func.func @_sc_d2_body(%arg0: i32, %arg1: i32, %arg2: memref<32768xf32, #tpu.memory_space<hbm>>, %arg3: memref<32768xf32, #tpu.memory_space<hbm>>, %arg4: memref<32768xf32, #tpu.memory_space<hbm>>, %arg5: memref<32768xi32, #tpu.memory_space<hbm>>, %arg6: memref<32768xf32, #tpu.memory_space<hbm>>, %arg7: memref<2048xf32, #tpu.memory_space<vmem>>, %arg8: memref<2048xf32, #tpu.memory_space<vmem>>, %arg9: memref<2048xf32, #tpu.memory_space<vmem>>, %arg10: memref<2048xi32, #tpu.memory_space<vmem>>, %arg11: memref<1024xf32, #tpu.memory_space<vmem>>, %arg12: memref<512xf32, #tpu.memory_space<vmem>>, %arg13: memref<96xf32, #tpu.memory_space<vmem>>, %arg14: memref<32xf32, #tpu.memory_space<vmem>>, %arg15: memref<512xf32, #tpu.memory_space<vmem>>, %arg16: memref<512xf32, #tpu.memory_space<vmem_shared>>, %arg17: memref<!tpu.dma_semaphore, #tpu.memory_space<semaphore_mem>>) attributes {dimension_semantics = [#tpu.dimension_semantics<core_parallel>, #tpu.dimension_semantics<subcore_parallel>], iteration_bounds = array<i64: 2, 16>, scalar_prefetch = 0 : i64, scratch_operands = 11 : i64, tpu.core_type = #tpu.core_type<sc_vector_subcore>, window_params = [{transform_indices = #map}, {transform_indices = #map}, {transform_indices = #map}, {transform_indices = #map}, {transform_indices = #map}]} {
    %mul3A = arith.constant 2048 : i32
    %mul3A_0 = arith.muli %arg1, %mul3A : i32
    %dma_start3A = tpu.memref_slice %arg5[%mul3A_0] : memref<32768xi32, #tpu.memory_space<hbm>> -> memref<2048xi32, #tpu.memory_space<hbm>>
    %dma_start3A_1 = tpu.memref_slice %arg5[%mul3A_0] : memref<32768xi32, #tpu.memory_space<hbm>> -> memref<2048xi32, #tpu.memory_space<hbm>>
    tpu.enqueue_dma source(%dma_start3A_1 : memref<2048xi32, #tpu.memory_space<hbm>>) target(%arg10 : memref<2048xi32, #tpu.memory_space<vmem>>) target_semaphore(%arg17 : memref<!tpu.dma_semaphore, #tpu.memory_space<semaphore_mem>>)
    %dma_start3A_2 = tpu.memref_slice %arg2[%mul3A_0] : memref<32768xf32, #tpu.memory_space<hbm>> -> memref<2048xf32, #tpu.memory_space<hbm>>
    %dma_start3A_3 = tpu.memref_slice %arg2[%mul3A_0] : memref<32768xf32, #tpu.memory_space<hbm>> -> memref<2048xf32, #tpu.memory_space<hbm>>
    tpu.enqueue_dma source(%dma_start3A_3 : memref<2048xf32, #tpu.memory_space<hbm>>) target(%arg7 : memref<2048xf32, #tpu.memory_space<vmem>>) target_semaphore(%arg17 : memref<!tpu.dma_semaphore, #tpu.memory_space<semaphore_mem>>)
    %dma_start3A_4 = tpu.memref_slice %arg3[%mul3A_0] : memref<32768xf32, #tpu.memory_space<hbm>> -> memref<2048xf32, #tpu.memory_space<hbm>>
    %dma_start3A_5 = tpu.memref_slice %arg3[%mul3A_0] : memref<32768xf32, #tpu.memory_space<hbm>> -> memref<2048xf32, #tpu.memory_space<hbm>>
    tpu.enqueue_dma source(%dma_start3A_5 : memref<2048xf32, #tpu.memory_space<hbm>>) target(%arg8 : memref<2048xf32, #tpu.memory_space<vmem>>) target_semaphore(%arg17 : memref<!tpu.dma_semaphore, #tpu.memory_space<semaphore_mem>>)
    %dma_start3A_6 = tpu.memref_slice %arg4[%mul3A_0] : memref<32768xf32, #tpu.memory_space<hbm>> -> memref<2048xf32, #tpu.memory_space<hbm>>
    %dma_start3A_7 = tpu.memref_slice %arg4[%mul3A_0] : memref<32768xf32, #tpu.memory_space<hbm>> -> memref<2048xf32, #tpu.memory_space<hbm>>
    tpu.enqueue_dma source(%dma_start3A_7 : memref<2048xf32, #tpu.memory_space<hbm>>) target(%arg9 : memref<2048xf32, #tpu.memory_space<vmem>>) target_semaphore(%arg17 : memref<!tpu.dma_semaphore, #tpu.memory_space<semaphore_mem>>)
    %iota3A = tpu.iota {dimensions = array<i32: 0>} : vector<16xi32>
    %broadcast_in_dim3A = arith.constant 0.000000e+00 : f32
    %broadcast_in_dim3A_8 = vector.broadcast %broadcast_in_dim3A : f32 to vector<16xf32>
    %broadcast_in_dim3A_9 = arith.constant 1.000000e+00 : f32
    %broadcast_in_dim3A_10 = vector.broadcast %broadcast_in_dim3A_9 : f32 to vector<16xf32>
    %scan3A = arith.constant 0 : i32
    %scan3A_11 = arith.constant 0 : i32
    %scan3A_12 = arith.constant 32 : i32
    %scan3A_13 = arith.addi %scan3A_11, %scan3A_12 : i32
    %scan3A_14 = arith.constant 1 : i32
    %scan3A_15 = scf.for %scan3A_255 = %scan3A_11 to %scan3A_13 step %scan3A_14 iter_args(%scan3A_256 = %scan3A) -> (i32)  : i32 {
      %mul3A_257 = arith.constant 16 : i32
      %mul3A_258 = arith.muli %scan3A_255, %mul3A_257 : i32
      %swap3A_259 = arith.index_cast %mul3A_258 : i32 to index
      %swap3A_260 = tpu.vector_load %arg12[%swap3A_259] {strides = array<i32>} : memref<512xf32, #tpu.memory_space<vmem>>, vector<16xf32>,
      tpu.vector_store %arg12[%swap3A_259], %broadcast_in_dim3A_8 {strides = array<i32>} : memref<512xf32, #tpu.memory_space<vmem>>, vector<16xf32>,
      %scan3A_261 = arith.constant 0 : i32
      scf.yield %scan3A_261 : i32
    }
    %scan3A_16 = arith.constant 32 : i32
    %dma_wait3A = tpu.memref_slice %arg5[%mul3A_0] : memref<32768xi32, #tpu.memory_space<hbm>> -> memref<2048xi32, #tpu.memory_space<hbm>>
    %dma_wait3A_17 = tpu.memref_slice %arg5[%mul3A_0] : memref<32768xi32, #tpu.memory_space<hbm>> -> memref<2048xi32, #tpu.memory_space<hbm>>
    tpu.wait_dma2 semaphore(%arg17 : memref<!tpu.dma_semaphore, #tpu.memory_space<semaphore_mem>>) src(%dma_wait3A_17 : memref<2048xi32, #tpu.memory_space<hbm>>) dst(%arg10 : memref<2048xi32, #tpu.memory_space<vmem>>)
    %dma_wait3A_18 = tpu.memref_slice %arg2[%mul3A_0] : memref<32768xf32, #tpu.memory_space<hbm>> -> memref<2048xf32, #tpu.memory_space<hbm>>
    %dma_wait3A_19 = tpu.memref_slice %arg2[%mul3A_0] : memref<32768xf32, #tpu.memory_space<hbm>> -> memref<2048xf32, #tpu.memory_space<hbm>>
    tpu.wait_dma2 semaphore(%arg17 : memref<!tpu.dma_semaphore, #tpu.memory_space<semaphore_mem>>) src(%dma_wait3A_19 : memref<2048xf32, #tpu.memory_space<hbm>>) dst(%arg7 : memref<2048xf32, #tpu.memory_space<vmem>>)
    %dma_wait3A_20 = tpu.memref_slice %arg3[%mul3A_0] : memref<32768xf32, #tpu.memory_space<hbm>> -> memref<2048xf32, #tpu.memory_space<hbm>>
    %dma_wait3A_21 = tpu.memref_slice %arg3[%mul3A_0] : memref<32768xf32, #tpu.memory_space<hbm>> -> memref<2048xf32, #tpu.memory_space<hbm>>
    tpu.wait_dma2 semaphore(%arg17 : memref<!tpu.dma_semaphore, #tpu.memory_space<semaphore_mem>>) src(%dma_wait3A_21 : memref<2048xf32, #tpu.memory_space<hbm>>) dst(%arg8 : memref<2048xf32, #tpu.memory_space<vmem>>)
    %dma_wait3A_22 = tpu.memref_slice %arg4[%mul3A_0] : memref<32768xf32, #tpu.memory_space<hbm>> -> memref<2048xf32, #tpu.memory_space<hbm>>
    %dma_wait3A_23 = tpu.memref_slice %arg4[%mul3A_0] : memref<32768xf32, #tpu.memory_space<hbm>> -> memref<2048xf32, #tpu.memory_space<hbm>>
    tpu.wait_dma2 semaphore(%arg17 : memref<!tpu.dma_semaphore, #tpu.memory_space<semaphore_mem>>) src(%dma_wait3A_23 : memref<2048xf32, #tpu.memory_space<hbm>>) dst(%arg9 : memref<2048xf32, #tpu.memory_space<vmem>>)
    %scan3A_24 = arith.constant 0 : i32
    %scan3A_25 = arith.constant 0 : i32
    %scan3A_26 = arith.constant 128 : i32
    %scan3A_27 = arith.addi %scan3A_25, %scan3A_26 : i32
    %scan3A_28 = arith.constant 1 : i32
    %scan3A_29 = scf.for %scan3A_255 = %scan3A_25 to %scan3A_27 step %scan3A_28 iter_args(%scan3A_256 = %scan3A_24) -> (i32)  : i32 {
      %mul3A_257 = arith.constant 16 : i32
      %mul3A_258 = arith.muli %scan3A_255, %mul3A_257 : i32
      %get3A = arith.index_cast %mul3A_258 : i32 to index
      %get3A_259 = tpu.vector_load %arg10[%get3A] {strides = array<i32>} : memref<2048xi32, #tpu.memory_space<vmem>>, vector<16xi32>,
      %get3A_260 = arith.index_cast %mul3A_258 : i32 to index
      %get3A_261 = tpu.vector_load %arg7[%get3A_260] {strides = array<i32>} : memref<2048xf32, #tpu.memory_space<vmem>>, vector<16xf32>,
      %get3A_262 = arith.index_cast %mul3A_258 : i32 to index
      %get3A_263 = tpu.vector_load %arg8[%get3A_262] {strides = array<i32>} : memref<2048xf32, #tpu.memory_space<vmem>>, vector<16xf32>,
      %get3A_264 = arith.index_cast %mul3A_258 : i32 to index
      %get3A_265 = tpu.vector_load %arg9[%get3A_264] {strides = array<i32>} : memref<2048xf32, #tpu.memory_space<vmem>>, vector<16xf32>,
      %mul3A_266 = arith.constant 16 : i32
      %mul3A_267 = vector.broadcast %mul3A_266 : i32 to vector<16xi32>
      %mul3A_268 = arith.muli %get3A_259, %mul3A_267 : vector<16xi32>
      %add3A_269 = arith.addi %mul3A_268, %iota3A : vector<16xi32>
      tpu.vector_store_idx %arg12[%add3A_269], %broadcast_in_dim3A_10 {add = true} : memref<512xf32, #tpu.memory_space<vmem>>[vector<16xi32>], vector<16xf32>,
      %add3A_270 = arith.constant 128 : i32
      %add3A_271 = vector.broadcast %add3A_270 : i32 to vector<16xi32>
      %add3A_272 = arith.addi %add3A_269, %add3A_271 : vector<16xi32>
      tpu.vector_store_idx %arg12[%add3A_272], %get3A_261 {add = true} : memref<512xf32, #tpu.memory_space<vmem>>[vector<16xi32>], vector<16xf32>,
      %add3A_273 = arith.constant 256 : i32
      %add3A_274 = vector.broadcast %add3A_273 : i32 to vector<16xi32>
      %add3A_275 = arith.addi %add3A_269, %add3A_274 : vector<16xi32>
      tpu.vector_store_idx %arg12[%add3A_275], %get3A_263 {add = true} : memref<512xf32, #tpu.memory_space<vmem>>[vector<16xi32>], vector<16xf32>,
      %add3A_276 = arith.constant 384 : i32
      %add3A_277 = vector.broadcast %add3A_276 : i32 to vector<16xi32>
      %add3A_278 = arith.addi %add3A_269, %add3A_277 : vector<16xi32>
      tpu.vector_store_idx %arg12[%add3A_278], %get3A_265 {add = true} : memref<512xf32, #tpu.memory_space<vmem>>[vector<16xi32>], vector<16xf32>,
      %scan3A_279 = arith.constant 0 : i32
      scf.yield %scan3A_279 : i32
    }
    %scan3A_30 = arith.constant 128 : i32
    %and3A = arith.constant 7 : i32
    %and3A_31 = vector.broadcast %and3A : i32 to vector<16xi32>
    %and3A_32 = arith.andi %iota3A, %and3A_31 : vector<16xi32>
    %mul3A_33 = arith.constant 16 : i32
    %mul3A_34 = vector.broadcast %mul3A_33 : i32 to vector<16xi32>
    %mul3A_35 = arith.muli %and3A_32, %mul3A_34 : vector<16xi32>
    %ge3A = arith.constant 8 : i32
    %ge3A_36 = vector.broadcast %ge3A : i32 to vector<16xi32>
    %ge3A_37 = arith.cmpi sge, %iota3A, %ge3A_36 : vector<16xi32>
    %jit3A = arith.constant 128 : i32
    %jit3A_38 = arith.constant 0 : i32
    %broadcast_in_dim3A_39 = vector.broadcast %jit3A : i32 to vector<16xi32>
    %broadcast_in_dim3A_40 = vector.broadcast %jit3A_38 : i32 to vector<16xi32>
    %select_n3A = arith.select %ge3A_37, %broadcast_in_dim3A_39, %broadcast_in_dim3A_40 : vector<16xi1>, vector<16xi32>
    %add3A = arith.addi %mul3A_35, %select_n3A : vector<16xi32>
    %add3A_41 = arith.constant 0 : i32
    %add3A_42 = vector.broadcast %add3A_41 : i32 to vector<16xi32>
    %add3A_43 = arith.addi %add3A, %add3A_42 : vector<16xi32>
    %gather3A = tpu.vector_load_idx %arg12[%add3A_43] : memref<512xf32, #tpu.memory_space<vmem>>[vector<16xi32>], vector<16xf32>,
    %add3A_44 = arith.addf %broadcast_in_dim3A_8, %gather3A : vector<16xf32>
    %add3A_45 = arith.constant 256 : i32
    %add3A_46 = vector.broadcast %add3A_45 : i32 to vector<16xi32>
    %add3A_47 = arith.addi %add3A, %add3A_46 : vector<16xi32>
    %gather3A_48 = tpu.vector_load_idx %arg12[%add3A_47] : memref<512xf32, #tpu.memory_space<vmem>>[vector<16xi32>], vector<16xf32>,
    %add3A_49 = arith.addf %broadcast_in_dim3A_8, %gather3A_48 : vector<16xf32>
    %add3A_50 = arith.constant 1 : i32
    %add3A_51 = vector.broadcast %add3A_50 : i32 to vector<16xi32>
    %add3A_52 = arith.addi %add3A, %add3A_51 : vector<16xi32>
    %gather3A_53 = tpu.vector_load_idx %arg12[%add3A_52] : memref<512xf32, #tpu.memory_space<vmem>>[vector<16xi32>], vector<16xf32>,
    %add3A_54 = arith.addf %add3A_44, %gather3A_53 : vector<16xf32>
    %add3A_55 = arith.constant 257 : i32
    %add3A_56 = vector.broadcast %add3A_55 : i32 to vector<16xi32>
    %add3A_57 = arith.addi %add3A, %add3A_56 : vector<16xi32>
    %gather3A_58 = tpu.vector_load_idx %arg12[%add3A_57] : memref<512xf32, #tpu.memory_space<vmem>>[vector<16xi32>], vector<16xf32>,
    %add3A_59 = arith.addf %add3A_49, %gather3A_58 : vector<16xf32>
    %add3A_60 = arith.constant 2 : i32
    %add3A_61 = vector.broadcast %add3A_60 : i32 to vector<16xi32>
    %add3A_62 = arith.addi %add3A, %add3A_61 : vector<16xi32>
    %gather3A_63 = tpu.vector_load_idx %arg12[%add3A_62] : memref<512xf32, #tpu.memory_space<vmem>>[vector<16xi32>], vector<16xf32>,
    %add3A_64 = arith.addf %add3A_54, %gather3A_63 : vector<16xf32>
    %add3A_65 = arith.constant 258 : i32
    %add3A_66 = vector.broadcast %add3A_65 : i32 to vector<16xi32>
    %add3A_67 = arith.addi %add3A, %add3A_66 : vector<16xi32>
    %gather3A_68 = tpu.vector_load_idx %arg12[%add3A_67] : memref<512xf32, #tpu.memory_space<vmem>>[vector<16xi32>], vector<16xf32>,
    %add3A_69 = arith.addf %add3A_59, %gather3A_68 : vector<16xf32>
    %add3A_70 = arith.constant 3 : i32
    %add3A_71 = vector.broadcast %add3A_70 : i32 to vector<16xi32>
    %add3A_72 = arith.addi %add3A, %add3A_71 : vector<16xi32>
    %gather3A_73 = tpu.vector_load_idx %arg12[%add3A_72] : memref<512xf32, #tpu.memory_space<vmem>>[vector<16xi32>], vector<16xf32>,
    %add3A_74 = arith.addf %add3A_64, %gather3A_73 : vector<16xf32>
    %add3A_75 = arith.constant 259 : i32
    %add3A_76 = vector.broadcast %add3A_75 : i32 to vector<16xi32>
    %add3A_77 = arith.addi %add3A, %add3A_76 : vector<16xi32>
    %gather3A_78 = tpu.vector_load_idx %arg12[%add3A_77] : memref<512xf32, #tpu.memory_space<vmem>>[vector<16xi32>], vector<16xf32>,
    %add3A_79 = arith.addf %add3A_69, %gather3A_78 : vector<16xf32>
    %add3A_80 = arith.constant 4 : i32
    %add3A_81 = vector.broadcast %add3A_80 : i32 to vector<16xi32>
    %add3A_82 = arith.addi %add3A, %add3A_81 : vector<16xi32>
    %gather3A_83 = tpu.vector_load_idx %arg12[%add3A_82] : memref<512xf32, #tpu.memory_space<vmem>>[vector<16xi32>], vector<16xf32>,
    %add3A_84 = arith.addf %add3A_74, %gather3A_83 : vector<16xf32>
    %add3A_85 = arith.constant 260 : i32
    %add3A_86 = vector.broadcast %add3A_85 : i32 to vector<16xi32>
    %add3A_87 = arith.addi %add3A, %add3A_86 : vector<16xi32>
    %gather3A_88 = tpu.vector_load_idx %arg12[%add3A_87] : memref<512xf32, #tpu.memory_space<vmem>>[vector<16xi32>], vector<16xf32>,
    %add3A_89 = arith.addf %add3A_79, %gather3A_88 : vector<16xf32>
    %add3A_90 = arith.constant 5 : i32
    %add3A_91 = vector.broadcast %add3A_90 : i32 to vector<16xi32>
    %add3A_92 = arith.addi %add3A, %add3A_91 : vector<16xi32>
    %gather3A_93 = tpu.vector_load_idx %arg12[%add3A_92] : memref<512xf32, #tpu.memory_space<vmem>>[vector<16xi32>], vector<16xf32>,
    %add3A_94 = arith.addf %add3A_84, %gather3A_93 : vector<16xf32>
    %add3A_95 = arith.constant 261 : i32
    %add3A_96 = vector.broadcast %add3A_95 : i32 to vector<16xi32>
    %add3A_97 = arith.addi %add3A, %add3A_96 : vector<16xi32>
    %gather3A_98 = tpu.vector_load_idx %arg12[%add3A_97] : memref<512xf32, #tpu.memory_space<vmem>>[vector<16xi32>], vector<16xf32>,
    %add3A_99 = arith.addf %add3A_89, %gather3A_98 : vector<16xf32>
    %add3A_100 = arith.constant 6 : i32
    %add3A_101 = vector.broadcast %add3A_100 : i32 to vector<16xi32>
    %add3A_102 = arith.addi %add3A, %add3A_101 : vector<16xi32>
    %gather3A_103 = tpu.vector_load_idx %arg12[%add3A_102] : memref<512xf32, #tpu.memory_space<vmem>>[vector<16xi32>], vector<16xf32>,
    %add3A_104 = arith.addf %add3A_94, %gather3A_103 : vector<16xf32>
    %add3A_105 = arith.constant 262 : i32
    %add3A_106 = vector.broadcast %add3A_105 : i32 to vector<16xi32>
    %add3A_107 = arith.addi %add3A, %add3A_106 : vector<16xi32>
    %gather3A_108 = tpu.vector_load_idx %arg12[%add3A_107] : memref<512xf32, #tpu.memory_space<vmem>>[vector<16xi32>], vector<16xf32>,
    %add3A_109 = arith.addf %add3A_99, %gather3A_108 : vector<16xf32>
    %add3A_110 = arith.constant 7 : i32
    %add3A_111 = vector.broadcast %add3A_110 : i32 to vector<16xi32>
    %add3A_112 = arith.addi %add3A, %add3A_111 : vector<16xi32>
    %gather3A_113 = tpu.vector_load_idx %arg12[%add3A_112] : memref<512xf32, #tpu.memory_space<vmem>>[vector<16xi32>], vector<16xf32>,
    %add3A_114 = arith.addf %add3A_104, %gather3A_113 : vector<16xf32>
    %add3A_115 = arith.constant 263 : i32
    %add3A_116 = vector.broadcast %add3A_115 : i32 to vector<16xi32>
    %add3A_117 = arith.addi %add3A, %add3A_116 : vector<16xi32>
    %gather3A_118 = tpu.vector_load_idx %arg12[%add3A_117] : memref<512xf32, #tpu.memory_space<vmem>>[vector<16xi32>], vector<16xf32>,
    %add3A_119 = arith.addf %add3A_109, %gather3A_118 : vector<16xf32>
    %add3A_120 = arith.constant 8 : i32
    %add3A_121 = vector.broadcast %add3A_120 : i32 to vector<16xi32>
    %add3A_122 = arith.addi %add3A, %add3A_121 : vector<16xi32>
    %gather3A_123 = tpu.vector_load_idx %arg12[%add3A_122] : memref<512xf32, #tpu.memory_space<vmem>>[vector<16xi32>], vector<16xf32>,
    %add3A_124 = arith.addf %add3A_114, %gather3A_123 : vector<16xf32>
    %add3A_125 = arith.constant 264 : i32
    %add3A_126 = vector.broadcast %add3A_125 : i32 to vector<16xi32>
    %add3A_127 = arith.addi %add3A, %add3A_126 : vector<16xi32>
    %gather3A_128 = tpu.vector_load_idx %arg12[%add3A_127] : memref<512xf32, #tpu.memory_space<vmem>>[vector<16xi32>], vector<16xf32>,
    %add3A_129 = arith.addf %add3A_119, %gather3A_128 : vector<16xf32>
    %add3A_130 = arith.constant 9 : i32
    %add3A_131 = vector.broadcast %add3A_130 : i32 to vector<16xi32>
    %add3A_132 = arith.addi %add3A, %add3A_131 : vector<16xi32>
    %gather3A_133 = tpu.vector_load_idx %arg12[%add3A_132] : memref<512xf32, #tpu.memory_space<vmem>>[vector<16xi32>], vector<16xf32>,
    %add3A_134 = arith.addf %add3A_124, %gather3A_133 : vector<16xf32>
    %add3A_135 = arith.constant 265 : i32
    %add3A_136 = vector.broadcast %add3A_135 : i32 to vector<16xi32>
    %add3A_137 = arith.addi %add3A, %add3A_136 : vector<16xi32>
    %gather3A_138 = tpu.vector_load_idx %arg12[%add3A_137] : memref<512xf32, #tpu.memory_space<vmem>>[vector<16xi32>], vector<16xf32>,
    %add3A_139 = arith.addf %add3A_129, %gather3A_138 : vector<16xf32>
    %add3A_140 = arith.constant 10 : i32
    %add3A_141 = vector.broadcast %add3A_140 : i32 to vector<16xi32>
    %add3A_142 = arith.addi %add3A, %add3A_141 : vector<16xi32>
    %gather3A_143 = tpu.vector_load_idx %arg12[%add3A_142] : memref<512xf32, #tpu.memory_space<vmem>>[vector<16xi32>], vector<16xf32>,
    %add3A_144 = arith.addf %add3A_134, %gather3A_143 : vector<16xf32>
    %add3A_145 = arith.constant 266 : i32
    %add3A_146 = vector.broadcast %add3A_145 : i32 to vector<16xi32>
    %add3A_147 = arith.addi %add3A, %add3A_146 : vector<16xi32>
    %gather3A_148 = tpu.vector_load_idx %arg12[%add3A_147] : memref<512xf32, #tpu.memory_space<vmem>>[vector<16xi32>], vector<16xf32>,
    %add3A_149 = arith.addf %add3A_139, %gather3A_148 : vector<16xf32>
    %add3A_150 = arith.constant 11 : i32
    %add3A_151 = vector.broadcast %add3A_150 : i32 to vector<16xi32>
    %add3A_152 = arith.addi %add3A, %add3A_151 : vector<16xi32>
    %gather3A_153 = tpu.vector_load_idx %arg12[%add3A_152] : memref<512xf32, #tpu.memory_space<vmem>>[vector<16xi32>], vector<16xf32>,
    %add3A_154 = arith.addf %add3A_144, %gather3A_153 : vector<16xf32>
    %add3A_155 = arith.constant 267 : i32
    %add3A_156 = vector.broadcast %add3A_155 : i32 to vector<16xi32>
    %add3A_157 = arith.addi %add3A, %add3A_156 : vector<16xi32>
    %gather3A_158 = tpu.vector_load_idx %arg12[%add3A_157] : memref<512xf32, #tpu.memory_space<vmem>>[vector<16xi32>], vector<16xf32>,
    %add3A_159 = arith.addf %add3A_149, %gather3A_158 : vector<16xf32>
    %add3A_160 = arith.constant 12 : i32
    %add3A_161 = vector.broadcast %add3A_160 : i32 to vector<16xi32>
    %add3A_162 = arith.addi %add3A, %add3A_161 : vector<16xi32>
    %gather3A_163 = tpu.vector_load_idx %arg12[%add3A_162] : memref<512xf32, #tpu.memory_space<vmem>>[vector<16xi32>], vector<16xf32>,
    %add3A_164 = arith.addf %add3A_154, %gather3A_163 : vector<16xf32>
    %add3A_165 = arith.constant 268 : i32
    %add3A_166 = vector.broadcast %add3A_165 : i32 to vector<16xi32>
    %add3A_167 = arith.addi %add3A, %add3A_166 : vector<16xi32>
    %gather3A_168 = tpu.vector_load_idx %arg12[%add3A_167] : memref<512xf32, #tpu.memory_space<vmem>>[vector<16xi32>], vector<16xf32>,
    %add3A_169 = arith.addf %add3A_159, %gather3A_168 : vector<16xf32>
    %add3A_170 = arith.constant 13 : i32
    %add3A_171 = vector.broadcast %add3A_170 : i32 to vector<16xi32>
    %add3A_172 = arith.addi %add3A, %add3A_171 : vector<16xi32>
    %gather3A_173 = tpu.vector_load_idx %arg12[%add3A_172] : memref<512xf32, #tpu.memory_space<vmem>>[vector<16xi32>], vector<16xf32>,
    %add3A_174 = arith.addf %add3A_164, %gather3A_173 : vector<16xf32>
    %add3A_175 = arith.constant 269 : i32
    %add3A_176 = vector.broadcast %add3A_175 : i32 to vector<16xi32>
    %add3A_177 = arith.addi %add3A, %add3A_176 : vector<16xi32>
    %gather3A_178 = tpu.vector_load_idx %arg12[%add3A_177] : memref<512xf32, #tpu.memory_space<vmem>>[vector<16xi32>], vector<16xf32>,
    %add3A_179 = arith.addf %add3A_169, %gather3A_178 : vector<16xf32>
    %add3A_180 = arith.constant 14 : i32
    %add3A_181 = vector.broadcast %add3A_180 : i32 to vector<16xi32>
    %add3A_182 = arith.addi %add3A, %add3A_181 : vector<16xi32>
    %gather3A_183 = tpu.vector_load_idx %arg12[%add3A_182] : memref<512xf32, #tpu.memory_space<vmem>>[vector<16xi32>], vector<16xf32>,
    %add3A_184 = arith.addf %add3A_174, %gather3A_183 : vector<16xf32>
    %add3A_185 = arith.constant 270 : i32
    %add3A_186 = vector.broadcast %add3A_185 : i32 to vector<16xi32>
    %add3A_187 = arith.addi %add3A, %add3A_186 : vector<16xi32>
    %gather3A_188 = tpu.vector_load_idx %arg12[%add3A_187] : memref<512xf32, #tpu.memory_space<vmem>>[vector<16xi32>], vector<16xf32>,
    %add3A_189 = arith.addf %add3A_179, %gather3A_188 : vector<16xf32>
    %add3A_190 = arith.constant 15 : i32
    %add3A_191 = vector.broadcast %add3A_190 : i32 to vector<16xi32>
    %add3A_192 = arith.addi %add3A, %add3A_191 : vector<16xi32>
    %gather3A_193 = tpu.vector_load_idx %arg12[%add3A_192] : memref<512xf32, #tpu.memory_space<vmem>>[vector<16xi32>], vector<16xf32>,
    %add3A_194 = arith.addf %add3A_184, %gather3A_193 : vector<16xf32>
    %add3A_195 = arith.constant 271 : i32
    %add3A_196 = vector.broadcast %add3A_195 : i32 to vector<16xi32>
    %add3A_197 = arith.addi %add3A, %add3A_196 : vector<16xi32>
    %gather3A_198 = tpu.vector_load_idx %arg12[%add3A_197] : memref<512xf32, #tpu.memory_space<vmem>>[vector<16xi32>], vector<16xf32>,
    %add3A_199 = arith.addf %add3A_189, %gather3A_198 : vector<16xf32>
    %swap3A = arith.constant 0 : index
    %swap3A_200 = tpu.vector_load %arg14[%swap3A] {strides = array<i32>} : memref<32xf32, #tpu.memory_space<vmem>>, vector<16xf32>,
    tpu.vector_store %arg14[%swap3A], %add3A_194 {strides = array<i32>} : memref<32xf32, #tpu.memory_space<vmem>>, vector<16xf32>,
    %swap3A_201 = arith.constant 16 : index
    %swap3A_202 = tpu.vector_load %arg14[%swap3A_201] {strides = array<i32>} : memref<32xf32, #tpu.memory_space<vmem>>, vector<16xf32>,
    tpu.vector_store %arg14[%swap3A_201], %add3A_199 {strides = array<i32>} : memref<32xf32, #tpu.memory_space<vmem>>, vector<16xf32>,
    %mul3A_203 = arith.constant 32 : i32
    %mul3A_204 = arith.muli %arg1, %mul3A_203 : i32
    "tpu.region"() ({
      %run_scoped3A = tpu.sem_alloc : memref<!tpu.dma_semaphore, #tpu.memory_space<semaphore_mem>>
      %dma_start3A_255 = tpu.memref_slice %arg16[%mul3A_204] : memref<512xf32, #tpu.memory_space<vmem_shared>> -> memref<32xf32, #tpu.memory_space<vmem_shared>>
      %dma_start3A_256 = tpu.memref_slice %arg16[%mul3A_204] : memref<512xf32, #tpu.memory_space<vmem_shared>> -> memref<32xf32, #tpu.memory_space<vmem_shared>>
      tpu.enqueue_dma source(%arg14 : memref<32xf32, #tpu.memory_space<vmem>>) target(%dma_start3A_256 : memref<32xf32, #tpu.memory_space<vmem_shared>>) target_semaphore(%run_scoped3A : memref<!tpu.dma_semaphore, #tpu.memory_space<semaphore_mem>>)
      %dma_wait3A_257 = tpu.memref_slice %arg16[%mul3A_204] : memref<512xf32, #tpu.memory_space<vmem_shared>> -> memref<32xf32, #tpu.memory_space<vmem_shared>>
      %dma_wait3A_258 = tpu.memref_slice %arg16[%mul3A_204] : memref<512xf32, #tpu.memory_space<vmem_shared>> -> memref<32xf32, #tpu.memory_space<vmem_shared>>
      tpu.wait_dma2 semaphore(%run_scoped3A : memref<!tpu.dma_semaphore, #tpu.memory_space<semaphore_mem>>) src(%arg14 : memref<32xf32, #tpu.memory_space<vmem>>) dst(%dma_wait3A_258 : memref<32xf32, #tpu.memory_space<vmem_shared>>)
      tpu.yield
    }) : () -> ()
    %barrier3A = arith.constant 0 : index
    tpu.barrier barrier_id(%barrier3A)
    "tpu.region"() ({
      %run_scoped3A = tpu.sem_alloc : memref<!tpu.dma_semaphore, #tpu.memory_space<semaphore_mem>>
      tpu.enqueue_dma source(%arg16 : memref<512xf32, #tpu.memory_space<vmem_shared>>) target(%arg15 : memref<512xf32, #tpu.memory_space<vmem>>) target_semaphore(%run_scoped3A : memref<!tpu.dma_semaphore, #tpu.memory_space<semaphore_mem>>)
      tpu.wait_dma2 semaphore(%run_scoped3A : memref<!tpu.dma_semaphore, #tpu.memory_space<semaphore_mem>>) src(%arg16 : memref<512xf32, #tpu.memory_space<vmem_shared>>) dst(%arg15 : memref<512xf32, #tpu.memory_space<vmem>>)
      tpu.yield
    }) : () -> ()
    %scan3A_205 = arith.constant 0 : i32
    %scan3A_206 = arith.constant 16 : i32
    %scan3A_207 = arith.addi %scan3A_205, %scan3A_206 : i32
    %scan3A_208 = arith.constant 1 : i32
    %scan3A_209:2 = scf.for %scan3A_255 = %scan3A_205 to %scan3A_207 step %scan3A_208 iter_args(%scan3A_256 = %broadcast_in_dim3A_8, %scan3A_257 = %broadcast_in_dim3A_8) -> (vector<16xf32>, vector<16xf32>)  : i32 {
      %mul3A_258 = arith.constant 32 : i32
      %mul3A_259 = arith.muli %scan3A_255, %mul3A_258 : i32
      %get3A = arith.index_cast %mul3A_259 : i32 to index
      %get3A_260 = tpu.vector_load %arg15[%get3A] {strides = array<i32>} : memref<512xf32, #tpu.memory_space<vmem>>, vector<16xf32>,
      %add3A_261 = arith.addf %scan3A_256, %get3A_260 : vector<16xf32>
      %mul3A_262 = arith.constant 32 : i32
      %mul3A_263 = arith.muli %scan3A_255, %mul3A_262 : i32
      %add3A_264 = arith.constant 16 : i32
      %add3A_265 = arith.addi %mul3A_263, %add3A_264 : i32
      %get3A_266 = arith.index_cast %add3A_265 : i32 to index
      %get3A_267 = tpu.vector_load %arg15[%get3A_266] {strides = array<i32>} : memref<512xf32, #tpu.memory_space<vmem>>, vector<16xf32>,
      %add3A_268 = arith.addf %scan3A_257, %get3A_267 : vector<16xf32>
      scf.yield %add3A_261, %add3A_268 : vector<16xf32>, vector<16xf32>
    }
    %scan3A_210 = arith.constant 16 : i32
    %swap3A_211 = arith.constant 0 : index
    %swap3A_212 = tpu.vector_load %arg13[%swap3A_211] {strides = array<i32>} : memref<96xf32, #tpu.memory_space<vmem>>, vector<16xf32>,
    tpu.vector_store %arg13[%swap3A_211], %scan3A_209#0 {strides = array<i32>} : memref<96xf32, #tpu.memory_space<vmem>>, vector<16xf32>,
    %swap3A_213 = arith.constant 16 : index
    %swap3A_214 = tpu.vector_load %arg13[%swap3A_213] {strides = array<i32>} : memref<96xf32, #tpu.memory_space<vmem>>, vector<16xf32>,
    tpu.vector_store %arg13[%swap3A_213], %scan3A_209#1 {strides = array<i32>} : memref<96xf32, #tpu.memory_space<vmem>>, vector<16xf32>,
    %and3A_215 = arith.constant 7 : i32
    %and3A_216 = vector.broadcast %and3A_215 : i32 to vector<16xi32>
    %and3A_217 = arith.andi %iota3A, %and3A_216 : vector<16xi32>
    %gather3A_218 = tpu.vector_load_idx %arg13[%and3A_217] : memref<96xf32, #tpu.memory_space<vmem>>[vector<16xi32>], vector<16xf32>,
    %add3A_219 = arith.constant 8 : i32
    %add3A_220 = vector.broadcast %add3A_219 : i32 to vector<16xi32>
    %add3A_221 = arith.addi %and3A_217, %add3A_220 : vector<16xi32>
    %gather3A_222 = tpu.vector_load_idx %arg13[%add3A_221] : memref<96xf32, #tpu.memory_space<vmem>>[vector<16xi32>], vector<16xf32>,
    %add3A_223 = arith.constant 16 : i32
    %add3A_224 = vector.broadcast %add3A_223 : i32 to vector<16xi32>
    %add3A_225 = arith.addi %and3A_217, %add3A_224 : vector<16xi32>
    %gather3A_226 = tpu.vector_load_idx %arg13[%add3A_225] : memref<96xf32, #tpu.memory_space<vmem>>[vector<16xi32>], vector<16xf32>,
    %add3A_227 = arith.constant 24 : i32
    %add3A_228 = vector.broadcast %add3A_227 : i32 to vector<16xi32>
    %add3A_229 = arith.addi %and3A_217, %add3A_228 : vector<16xi32>
    %gather3A_230 = tpu.vector_load_idx %arg13[%add3A_229] : memref<96xf32, #tpu.memory_space<vmem>>[vector<16xi32>], vector<16xf32>,
    %gt3A = arith.constant 0.000000e+00 : f32
    %gt3A_231 = vector.broadcast %gt3A : f32 to vector<16xf32>
    %gt3A_232 = arith.cmpf ogt, %gather3A_218, %gt3A_231 : vector<16xf32>
    %select_n3A_233 = arith.select %gt3A_232, %gather3A_218, %broadcast_in_dim3A_10 : vector<16xi1>, vector<16xf32>
    %div3A = arith.divf %gather3A_222, %select_n3A_233 : vector<16xf32>
    %select_n3A_234 = arith.select %gt3A_232, %div3A, %broadcast_in_dim3A_8 : vector<16xi1>, vector<16xf32>
    %swap3A_235 = arith.constant 32 : index
    %swap3A_236 = tpu.vector_load %arg13[%swap3A_235] {strides = array<i32>} : memref<96xf32, #tpu.memory_space<vmem>>, vector<16xf32>,
    tpu.vector_store %arg13[%swap3A_235], %select_n3A_234 {strides = array<i32>} : memref<96xf32, #tpu.memory_space<vmem>>, vector<16xf32>,
    %div3A_237 = arith.divf %gather3A_226, %select_n3A_233 : vector<16xf32>
    %select_n3A_238 = arith.select %gt3A_232, %div3A_237, %broadcast_in_dim3A_8 : vector<16xi1>, vector<16xf32>
    %swap3A_239 = arith.constant 48 : index
    %swap3A_240 = tpu.vector_load %arg13[%swap3A_239] {strides = array<i32>} : memref<96xf32, #tpu.memory_space<vmem>>, vector<16xf32>,
    tpu.vector_store %arg13[%swap3A_239], %select_n3A_238 {strides = array<i32>} : memref<96xf32, #tpu.memory_space<vmem>>, vector<16xf32>,
    %div3A_241 = arith.divf %gather3A_230, %select_n3A_233 : vector<16xf32>
    %select_n3A_242 = arith.select %gt3A_232, %div3A_241, %broadcast_in_dim3A_8 : vector<16xi1>, vector<16xf32>
    %swap3A_243 = arith.constant 64 : index
    %swap3A_244 = tpu.vector_load %arg13[%swap3A_243] {strides = array<i32>} : memref<96xf32, #tpu.memory_space<vmem>>, vector<16xf32>,
    tpu.vector_store %arg13[%swap3A_243], %select_n3A_242 {strides = array<i32>} : memref<96xf32, #tpu.memory_space<vmem>>, vector<16xf32>,
    %mul3A_245 = arith.constant 1024 : i32
    %mul3A_246 = arith.muli %arg0, %mul3A_245 : i32
    %scan3A_247 = arith.constant 0 : i32
    %scan3A_248 = arith.constant 0 : i32
    %scan3A_249 = arith.constant 64 : i32
    %scan3A_250 = arith.addi %scan3A_248, %scan3A_249 : i32
    %scan3A_251 = arith.constant 1 : i32
    %scan3A_252 = scf.for %scan3A_255 = %scan3A_248 to %scan3A_250 step %scan3A_251 iter_args(%scan3A_256 = %scan3A_247) -> (i32)  : i32 {
      %mul3A_257 = arith.constant 16 : i32
      %mul3A_258 = arith.muli %scan3A_255, %mul3A_257 : i32
      %add3A_259 = arith.addi %mul3A_246, %mul3A_258 : i32
      %get3A = arith.index_cast %add3A_259 : i32 to index
      %get3A_260 = tpu.vector_load %arg10[%get3A] {strides = array<i32>} : memref<2048xi32, #tpu.memory_space<vmem>>, vector<16xi32>,
      %get3A_261 = arith.index_cast %add3A_259 : i32 to index
      %get3A_262 = tpu.vector_load %arg7[%get3A_261] {strides = array<i32>} : memref<2048xf32, #tpu.memory_space<vmem>>, vector<16xf32>,
      %get3A_263 = arith.index_cast %add3A_259 : i32 to index
      %get3A_264 = tpu.vector_load %arg8[%get3A_263] {strides = array<i32>} : memref<2048xf32, #tpu.memory_space<vmem>>, vector<16xf32>,
      %get3A_265 = arith.index_cast %add3A_259 : i32 to index
      %get3A_266 = tpu.vector_load %arg9[%get3A_265] {strides = array<i32>} : memref<2048xf32, #tpu.memory_space<vmem>>, vector<16xf32>,
      %add3A_267 = arith.constant 32 : i32
      %add3A_268 = vector.broadcast %add3A_267 : i32 to vector<16xi32>
      %add3A_269 = arith.addi %get3A_260, %add3A_268 : vector<16xi32>
      %gather3A_270 = tpu.vector_load_idx %arg13[%add3A_269] : memref<96xf32, #tpu.memory_space<vmem>>[vector<16xi32>], vector<16xf32>,
      %add3A_271 = arith.constant 48 : i32
      %add3A_272 = vector.broadcast %add3A_271 : i32 to vector<16xi32>
      %add3A_273 = arith.addi %get3A_260, %add3A_272 : vector<16xi32>
      %gather3A_274 = tpu.vector_load_idx %arg13[%add3A_273] : memref<96xf32, #tpu.memory_space<vmem>>[vector<16xi32>], vector<16xf32>,
      %add3A_275 = arith.constant 64 : i32
      %add3A_276 = vector.broadcast %add3A_275 : i32 to vector<16xi32>
      %add3A_277 = arith.addi %get3A_260, %add3A_276 : vector<16xi32>
      %gather3A_278 = tpu.vector_load_idx %arg13[%add3A_277] : memref<96xf32, #tpu.memory_space<vmem>>[vector<16xi32>], vector<16xf32>,
      %sub3A = arith.subf %get3A_262, %gather3A_270 : vector<16xf32>
      %sub3A_279 = arith.subf %get3A_264, %gather3A_274 : vector<16xf32>
      %sub3A_280 = arith.subf %get3A_266, %gather3A_278 : vector<16xf32>
      %mul3A_281 = arith.mulf %sub3A, %sub3A : vector<16xf32>
      %mul3A_282 = arith.mulf %sub3A_279, %sub3A_279 : vector<16xf32>
      %add3A_283 = arith.addf %mul3A_281, %mul3A_282 : vector<16xf32>
      %mul3A_284 = arith.mulf %sub3A_280, %sub3A_280 : vector<16xf32>
      %add3A_285 = arith.addf %add3A_283, %mul3A_284 : vector<16xf32>
      %mul3A_286 = arith.constant 16 : i32
      %mul3A_287 = arith.muli %scan3A_255, %mul3A_286 : i32
      %swap3A_288 = arith.index_cast %mul3A_287 : i32 to index
      %swap3A_289 = tpu.vector_load %arg11[%swap3A_288] {strides = array<i32>} : memref<1024xf32, #tpu.memory_space<vmem>>, vector<16xf32>,
      tpu.vector_store %arg11[%swap3A_288], %add3A_285 {strides = array<i32>} : memref<1024xf32, #tpu.memory_space<vmem>>, vector<16xf32>,
      %scan3A_290 = arith.constant 0 : i32
      scf.yield %scan3A_290 : i32
    }
    %scan3A_253 = arith.constant 64 : i32
    %add3A_254 = arith.addi %mul3A_0, %mul3A_246 : i32
    "tpu.region"() ({
      %run_scoped3A = tpu.sem_alloc : memref<!tpu.dma_semaphore, #tpu.memory_space<semaphore_mem>>
      %dma_start3A_255 = tpu.memref_slice %arg6[%add3A_254] : memref<32768xf32, #tpu.memory_space<hbm>> -> memref<1024xf32, #tpu.memory_space<hbm>>
      %dma_start3A_256 = tpu.memref_slice %arg6[%add3A_254] : memref<32768xf32, #tpu.memory_space<hbm>> -> memref<1024xf32, #tpu.memory_space<hbm>>
      tpu.enqueue_dma source(%arg11 : memref<1024xf32, #tpu.memory_space<vmem>>) target(%dma_start3A_256 : memref<1024xf32, #tpu.memory_space<hbm>>) target_semaphore(%run_scoped3A : memref<!tpu.dma_semaphore, #tpu.memory_space<semaphore_mem>>)
      %dma_wait3A_257 = tpu.memref_slice %arg6[%add3A_254] : memref<32768xf32, #tpu.memory_space<hbm>> -> memref<1024xf32, #tpu.memory_space<hbm>>
      %dma_wait3A_258 = tpu.memref_slice %arg6[%add3A_254] : memref<32768xf32, #tpu.memory_space<hbm>> -> memref<1024xf32, #tpu.memory_space<hbm>>
      tpu.wait_dma2 semaphore(%run_scoped3A : memref<!tpu.dma_semaphore, #tpu.memory_space<semaphore_mem>>) src(%arg11 : memref<1024xf32, #tpu.memory_space<vmem>>) dst(%dma_wait3A_258 : memref<1024xf32, #tpu.memory_space<hbm>>)
      tpu.yield
    }) : () -> ()
    return
  }
}

module attributes {stable_mosaic.version = 14 : i64} {
  func.func @_tc_body(%arg0: i32, %arg1: memref<128x32768xf32, #tpu.memory_space<vmem>>, %arg2: memref<1x32768xi32, #tpu.memory_space<vmem>>, %arg3: memref<1x32768xf32, #tpu.memory_space<vmem>>, %arg4: memref<1x1xf32, #tpu.memory_space<vmem>>, %arg5: memref<16x128xf32, #tpu.memory_space<vmem>>, %arg6: memref<16x128xf32, #tpu.memory_space<vmem>>) attributes {dimension_semantics = [#tpu.dimension_semantics<arbitrary>], iteration_bounds = array<i64: 2>, scalar_prefetch = 0 : i64, scratch_operands = 2 : i64, tpu.core_type = #tpu.core_type<tc>, window_params = [{pipeline_mode = #tpu.pipeline_mode<synchronous>, transform_indices = @transform_0, window_bounds = array<i64: 128, 32768>}, {pipeline_mode = #tpu.pipeline_mode<synchronous>, transform_indices = @transform_1, window_bounds = array<i64: 1, 32768>}, {pipeline_mode = #tpu.pipeline_mode<synchronous>, transform_indices = @transform_2, window_bounds = array<i64: 1, 32768>}, {pipeline_mode = #tpu.pipeline_mode<synchronous>, transform_indices = @transform_3, window_bounds = array<i64: 1, 1>}]} {
    %eq3A = arith.constant 0 : i32
    %eq3A_0 = arith.cmpi eq, %arg0, %eq3A : i32
    %convert_element_type3A = arith.extui %eq3A_0 : i1 to i32
    %cond3A = arith.constant 0 : i32
    %cond3A_1 = arith.cmpi ne, %convert_element_type3A, %cond3A : i32
    scf.if %cond3A_1 {
      %broadcast_in_dim3A_74 = arith.constant 0.000000e+00 : f32
      %broadcast_in_dim3A_75 = vector.broadcast %broadcast_in_dim3A_74 : f32 to vector<16x128xf32>
      %swap3A_76 = arith.constant 0 : index
      %swap3A_77 = arith.constant 0 : index
      %swap3A_78 = vector.load %arg5[%swap3A_76, %swap3A_77] : memref<16x128xf32, #tpu.memory_space<vmem>>, vector<16x128xf32>
      tpu.vector_store %arg5[%swap3A_76, %swap3A_77], %broadcast_in_dim3A_75 {strides = array<i32>} : memref<16x128xf32, #tpu.memory_space<vmem>>, vector<16x128xf32>,
      %broadcast_in_dim3A_79 = arith.constant 0.000000e+00 : f32
      %broadcast_in_dim3A_80 = vector.broadcast %broadcast_in_dim3A_79 : f32 to vector<16x128xf32>
      %swap3A_81 = arith.constant 0 : index
      %swap3A_82 = arith.constant 0 : index
      %swap3A_83 = vector.load %arg6[%swap3A_81, %swap3A_82] : memref<16x128xf32, #tpu.memory_space<vmem>>, vector<16x128xf32>
      tpu.vector_store %arg6[%swap3A_81, %swap3A_82], %broadcast_in_dim3A_80 {strides = array<i32>} : memref<16x128xf32, #tpu.memory_space<vmem>>, vector<16x128xf32>,
    } else {
    }
    %mul3A = arith.constant 16384 : i32
    %mul3A_2 = arith.muli %arg0, %mul3A : i32
    %multiple_of3A = tpu.assume_multiple %mul3A_2, 16384 : i32
    %get3A = arith.constant 0 : index
    %get3A_3 = arith.index_cast %multiple_of3A : i32 to index
    %get3A_4 = vector.load %arg1[%get3A, %get3A_3] : memref<128x32768xf32, #tpu.memory_space<vmem>>, vector<128x16384xf32>
    %get3A_5 = arith.constant 0 : index
    %get3A_6 = arith.index_cast %multiple_of3A : i32 to index
    %get3A_7 = vector.load %arg2[%get3A_5, %get3A_6] : memref<1x32768xi32, #tpu.memory_space<vmem>>, vector<1x16384xi32>
    %get3A_8 = arith.constant 0 : index
    %get3A_9 = arith.index_cast %multiple_of3A : i32 to index
    %get3A_10 = vector.load %arg3[%get3A_8, %get3A_9] : memref<1x32768xf32, #tpu.memory_space<vmem>>, vector<1x16384xf32>
    %iota3A = tpu.iota {dimensions = array<i32: 0>} : vector<8x16384xi32>
    %broadcast_in_dim3A = vector.shape_cast %get3A_7 : vector<1x16384xi32> to vector<1x16384xi32>
    %broadcast_in_dim3A_11 = vector.broadcast %broadcast_in_dim3A : vector<1x16384xi32> to vector<8x16384xi32>
    %eq3A_12 = arith.cmpi eq, %broadcast_in_dim3A_11, %iota3A : vector<8x16384xi32>
    %convert_element_type3A_13 = arith.extui %eq3A_12 : vector<8x16384xi1> to vector<8x16384xi32>
    %convert_element_type3A_14 = arith.sitofp %convert_element_type3A_13 : vector<8x16384xi32> to vector<8x16384xf32>
    %convert_element_type3A_15 = arith.truncf %get3A_4 : vector<128x16384xf32> to vector<128x16384xbf16>
    %broadcast_in_dim3A_16 = arith.constant 1.000000e+00 : bf16
    %broadcast_in_dim3A_17 = vector.broadcast %broadcast_in_dim3A_16 : bf16 to vector<1x128xbf16>
    %mul3A_18 = arith.mulf %convert_element_type3A_15, %convert_element_type3A_15 : vector<128x16384xbf16>
    %dot_general3A = arith.constant dense<0.000000e+00> : vector<1x16384xf32>
    %dot_general3A_19 = tpu.matmul %broadcast_in_dim3A_17, %mul3A_18, %dot_general3A {dimension_numbers = #tpu.dot_dimension_numbers<[1], [0], [0], [1], [0, 0, 1, 1], [], []>, transpose_lhs_hint = false} : vector<1x128xbf16>, vector<128x16384xbf16>, vector<1x16384xf32> -> vector<1x16384xf32>
    %sqrt3A = math.sqrt %dot_general3A_19 : vector<1x16384xf32>
    %max3A = arith.constant 9.99999993E-9 : f32
    %max3A_20 = vector.broadcast %max3A : f32 to vector<1x16384xf32>
    %max3A_21 = arith.maximumf %sqrt3A, %max3A_20 : vector<1x16384xf32>
    %div3A = arith.constant 1.000000e+00 : f32
    %div3A_22 = vector.broadcast %div3A : f32 to vector<1x16384xf32>
    %div3A_23 = arith.divf %div3A_22, %max3A_21 : vector<1x16384xf32>
    %sqrt3A_24 = math.sqrt %get3A_10 : vector<1x16384xf32>
    %neg3A = arith.constant 0.000000e+00 : f32
    %neg3A_25 = vector.broadcast %neg3A : f32 to vector<1x16384xf32>
    %neg3A_26 = arith.subf %neg3A_25, %sqrt3A_24 : vector<1x16384xf32>
    %exp3A = math.exp %neg3A_26 : vector<1x16384xf32>
    %add3A = arith.constant 1.000000e+00 : f32
    %add3A_27 = vector.broadcast %add3A : f32 to vector<1x16384xf32>
    %add3A_28 = arith.addf %add3A_27, %exp3A : vector<1x16384xf32>
    %div3A_29 = arith.constant 1.000000e+00 : f32
    %div3A_30 = vector.broadcast %div3A_29 : f32 to vector<1x16384xf32>
    %div3A_31 = arith.divf %div3A_30, %add3A_28 : vector<1x16384xf32>
    %mul3A_32 = arith.mulf %div3A_31, %div3A_23 : vector<1x16384xf32>
    %mul3A_33 = vector.broadcast %mul3A_32 : vector<1x16384xf32> to vector<8x16384xf32>
    %mul3A_34 = arith.mulf %convert_element_type3A_14, %mul3A_33 : vector<8x16384xf32>
    %concatenate3A = tpu.concatenate %convert_element_type3A_14, %mul3A_34 in 0 : vector<8x16384xf32>, vector<8x16384xf32> -> vector<16x16384xf32>
    %get3A_35 = arith.constant 0 : index
    %get3A_36 = arith.constant 0 : index
    %get3A_37 = vector.load %arg5[%get3A_35, %get3A_36] : memref<16x128xf32, #tpu.memory_space<vmem>>, vector<16x128xf32>
    %convert_element_type3A_38 = arith.truncf %concatenate3A : vector<16x16384xf32> to vector<16x16384xbf16>
    %dot_general3A_39 = arith.constant dense<0.000000e+00> : vector<16x128xf32>
    %dot_general3A_40 = tpu.matmul %convert_element_type3A_38, %convert_element_type3A_15, %dot_general3A_39 {dimension_numbers = #tpu.dot_dimension_numbers<[1], [1], [0], [0], [0, 0, 1, 0], [], []>, transpose_lhs_hint = false} : vector<16x16384xbf16>, vector<128x16384xbf16>, vector<16x128xf32> -> vector<16x128xf32>
    %add3A_41 = arith.addf %get3A_37, %dot_general3A_40 : vector<16x128xf32>
    %swap3A = arith.constant 0 : index
    %swap3A_42 = arith.constant 0 : index
    %swap3A_43 = vector.load %arg5[%swap3A, %swap3A_42] : memref<16x128xf32, #tpu.memory_space<vmem>>, vector<16x128xf32>
    tpu.vector_store %arg5[%swap3A, %swap3A_42], %add3A_41 {strides = array<i32>} : memref<16x128xf32, #tpu.memory_space<vmem>>, vector<16x128xf32>,
    %get3A_44 = arith.constant 0 : index
    %get3A_45 = arith.constant 0 : index
    %get3A_46 = vector.load %arg6[%get3A_44, %get3A_45] : memref<16x128xf32, #tpu.memory_space<vmem>>, vector<8x128xf32>
    %reduce_sum3A = arith.constant dense<0.000000e+00> : vector<8xf32>
    %reduce_sum3A_47 = vector.multi_reduction <add>, %convert_element_type3A_14, %reduce_sum3A [1] : vector<8x16384xf32> to vector<8xf32>
    %broadcast_in_dim3A_48 = vector.shape_cast %reduce_sum3A_47 : vector<8xf32> to vector<8x1xf32>
    %broadcast_in_dim3A_49 = vector.shape_cast %broadcast_in_dim3A_48 : vector<8x1xf32> to vector<8x1xf32>
    %broadcast_in_dim3A_50 = vector.broadcast %broadcast_in_dim3A_49 : vector<8x1xf32> to vector<8x128xf32>
    %add3A_51 = arith.addf %get3A_46, %broadcast_in_dim3A_50 : vector<8x128xf32>
    %swap3A_52 = arith.constant 0 : index
    %swap3A_53 = arith.constant 0 : index
    %swap3A_54 = vector.load %arg6[%swap3A_52, %swap3A_53] : memref<16x128xf32, #tpu.memory_space<vmem>>, vector<8x128xf32>
    tpu.vector_store %arg6[%swap3A_52, %swap3A_53], %add3A_51 {strides = array<i32>} : memref<16x128xf32, #tpu.memory_space<vmem>>, vector<8x128xf32>,
    %get3A_55 = arith.constant 8 : index
    %get3A_56 = arith.constant 0 : index
    %get3A_57 = vector.load %arg6[%get3A_55, %get3A_56] : memref<16x128xf32, #tpu.memory_space<vmem>>, vector<8x128xf32>
    %mul3A_58 = vector.broadcast %div3A_31 : vector<1x16384xf32> to vector<8x16384xf32>
    %mul3A_59 = arith.mulf %convert_element_type3A_14, %mul3A_58 : vector<8x16384xf32>
    %reduce_sum3A_60 = arith.constant dense<0.000000e+00> : vector<8xf32>
    %reduce_sum3A_61 = vector.multi_reduction <add>, %mul3A_59, %reduce_sum3A_60 [1] : vector<8x16384xf32> to vector<8xf32>
    %broadcast_in_dim3A_62 = vector.shape_cast %reduce_sum3A_61 : vector<8xf32> to vector<8x1xf32>
    %broadcast_in_dim3A_63 = vector.shape_cast %broadcast_in_dim3A_62 : vector<8x1xf32> to vector<8x1xf32>
    %broadcast_in_dim3A_64 = vector.broadcast %broadcast_in_dim3A_63 : vector<8x1xf32> to vector<8x128xf32>
    %add3A_65 = arith.addf %get3A_57, %broadcast_in_dim3A_64 : vector<8x128xf32>
    %swap3A_66 = arith.constant 8 : index
    %swap3A_67 = arith.constant 0 : index
    %swap3A_68 = vector.load %arg6[%swap3A_66, %swap3A_67] : memref<16x128xf32, #tpu.memory_space<vmem>>, vector<8x128xf32>
    tpu.vector_store %arg6[%swap3A_66, %swap3A_67], %add3A_65 {strides = array<i32>} : memref<16x128xf32, #tpu.memory_space<vmem>>, vector<8x128xf32>,
    %eq3A_69 = arith.constant 1 : i32
    %eq3A_70 = arith.cmpi eq, %arg0, %eq3A_69 : i32
    %convert_element_type3A_71 = arith.extui %eq3A_70 : i1 to i32
    %cond3A_72 = arith.constant 0 : i32
    %cond3A_73 = arith.cmpi ne, %convert_element_type3A_71, %cond3A_72 : i32
    scf.if %cond3A_73 {
      %get3A_74 = arith.constant 0 : index
      %get3A_75 = arith.constant 0 : index
      %get3A_76 = vector.load %arg5[%get3A_74, %get3A_75] : memref<16x128xf32, #tpu.memory_space<vmem>>, vector<16x128xf32>
      %slice3A = vector.extract_strided_slice %get3A_76 {offsets = [0, 0], sizes = [8, 128], strides = [1, 1]} : vector<16x128xf32> to vector<8x128xf32>
      %slice3A_77 = vector.extract_strided_slice %get3A_76 {offsets = [8, 0], sizes = [8, 128], strides = [1, 1]} : vector<16x128xf32> to vector<8x128xf32>
      %get3A_78 = arith.constant 0 : index
      %get3A_79 = arith.constant 0 : index
      %get3A_80 = vector.load %arg6[%get3A_78, %get3A_79] : memref<16x128xf32, #tpu.memory_space<vmem>>, vector<16x1xf32>
      %slice3A_81 = vector.extract_strided_slice %get3A_80 {offsets = [0, 0], sizes = [8, 1], strides = [1, 1]} : vector<16x1xf32> to vector<8x1xf32>
      %slice3A_82 = vector.extract_strided_slice %get3A_80 {offsets = [8, 0], sizes = [8, 1], strides = [1, 1]} : vector<16x1xf32> to vector<8x1xf32>
      %gt3A = arith.constant 0.000000e+00 : f32
      %gt3A_83 = vector.broadcast %gt3A : f32 to vector<8x1xf32>
      %gt3A_84 = arith.cmpf ogt, %slice3A_81, %gt3A_83 : vector<8x1xf32>
      %max3A_85 = arith.constant 1.000000e+00 : f32
      %max3A_86 = vector.broadcast %max3A_85 : f32 to vector<8x1xf32>
      %max3A_87 = arith.maximumf %slice3A_81, %max3A_86 : vector<8x1xf32>
      %div3A_88 = arith.constant 1.000000e+00 : f32
      %div3A_89 = vector.broadcast %div3A_88 : f32 to vector<8x1xf32>
      %div3A_90 = arith.divf %div3A_89, %max3A_87 : vector<8x1xf32>
      %jit3A = arith.constant 0.000000e+00 : f32
      %broadcast_in_dim3A_91 = vector.broadcast %jit3A : f32 to vector<8x1xf32>
      %select_n3A = arith.select %gt3A_84, %div3A_90, %broadcast_in_dim3A_91 : vector<8x1xi1>, vector<8x1xf32>
      %mul3A_92 = arith.mulf %slice3A, %slice3A : vector<8x128xf32>
      %reduce_sum3A_93 = arith.constant dense<0.000000e+00> : vector<8xf32>
      %reduce_sum3A_94 = vector.multi_reduction <add>, %mul3A_92, %reduce_sum3A_93 [1] : vector<8x128xf32> to vector<8xf32>
      %broadcast_in_dim3A_95 = vector.shape_cast %reduce_sum3A_94 : vector<8xf32> to vector<8x1xf32>
      %sqrt3A_96 = math.sqrt %broadcast_in_dim3A_95 : vector<8x1xf32>
      %mul3A_97 = arith.mulf %sqrt3A_96, %select_n3A : vector<8x1xf32>
      %iota3A_98 = tpu.iota {dimensions = array<i32: 0>} : vector<8x1xi32>
      %ge3A = arith.constant 1 : i32
      %ge3A_99 = vector.broadcast %ge3A : i32 to vector<8x1xi32>
      %ge3A_100 = arith.cmpi sge, %iota3A_98, %ge3A_99 : vector<8x1xi32>
      %and3A = arith.andi %ge3A_100, %gt3A_84 : vector<8x1xi1>
      %jit3A_101 = arith.constant 0.000000e+00 : f32
      %broadcast_in_dim3A_102 = vector.broadcast %jit3A_101 : f32 to vector<8x1xf32>
      %select_n3A_103 = arith.select %and3A, %select_n3A, %broadcast_in_dim3A_102 : vector<8x1xi1>, vector<8x1xf32>
      %mul3A_104 = arith.mulf %select_n3A, %select_n3A : vector<8x1xf32>
      %max3A_105 = arith.constant 9.99999993E-9 : f32
      %max3A_106 = vector.broadcast %max3A_105 : f32 to vector<8x1xf32>
      %max3A_107 = arith.maximumf %mul3A_97, %max3A_106 : vector<8x1xf32>
      %div3A_108 = arith.divf %mul3A_104, %max3A_107 : vector<8x1xf32>
      %jit3A_109 = arith.constant 0.000000e+00 : f32
      %broadcast_in_dim3A_110 = vector.broadcast %jit3A_109 : f32 to vector<8x1xf32>
      %select_n3A_111 = arith.select %and3A, %div3A_108, %broadcast_in_dim3A_110 : vector<8x1xi1>, vector<8x1xf32>
      %mul3A_112 = arith.mulf %slice3A, %slice3A_77 : vector<8x128xf32>
      %reduce_sum3A_113 = arith.constant dense<0.000000e+00> : vector<8xf32>
      %reduce_sum3A_114 = vector.multi_reduction <add>, %mul3A_112, %reduce_sum3A_113 [1] : vector<8x128xf32> to vector<8xf32>
      %broadcast_in_dim3A_115 = vector.shape_cast %reduce_sum3A_114 : vector<8xf32> to vector<8x1xf32>
      %mul3A_116 = arith.mulf %select_n3A_103, %slice3A_82 : vector<8x1xf32>
      %reduce_sum3A_117 = vector.shape_cast %mul3A_116 : vector<8x1xf32> to vector<1x8x1xf32>
      %reduce_sum3A_118 = arith.constant dense<0.000000e+00> : vector<1xf32>
      %reduce_sum3A_119 = vector.multi_reduction <add>, %reduce_sum3A_117, %reduce_sum3A_118 [1, 2] : vector<1x8x1xf32> to vector<1xf32>
      %reduce_sum3A_120 = vector.shape_cast %reduce_sum3A_119 : vector<1xf32> to vector<1x1x1xf32>
      %reduce_sum3A_121 = vector.extract %reduce_sum3A_120[0, 0, 0] : f32 from vector<1x1x1xf32>
      %mul3A_122 = arith.mulf %select_n3A_111, %broadcast_in_dim3A_115 : vector<8x1xf32>
      %reduce_sum3A_123 = vector.shape_cast %mul3A_122 : vector<8x1xf32> to vector<1x8x1xf32>
      %reduce_sum3A_124 = arith.constant dense<0.000000e+00> : vector<1xf32>
      %reduce_sum3A_125 = vector.multi_reduction <add>, %reduce_sum3A_123, %reduce_sum3A_124 [1, 2] : vector<1x8x1xf32> to vector<1xf32>
      %reduce_sum3A_126 = vector.shape_cast %reduce_sum3A_125 : vector<1xf32> to vector<1x1x1xf32>
      %reduce_sum3A_127 = vector.extract %reduce_sum3A_126[0, 0, 0] : f32 from vector<1x1x1xf32>
      %sub3A = arith.subf %reduce_sum3A_121, %reduce_sum3A_127 : f32
      %dot_general3A_128 = arith.constant dense<0.000000e+00> : vector<8x8xf32>
      %dot_general3A_129 = tpu.matmul %slice3A, %slice3A, %dot_general3A_128 {dimension_numbers = #tpu.dot_dimension_numbers<[1], [1], [0], [0], [0, 0, 1, 0], [], []>, transpose_lhs_hint = false} : vector<8x128xf32>, vector<8x128xf32>, vector<8x8xf32> -> vector<8x8xf32>
      %max3A_130 = arith.constant 9.99999993E-9 : f32
      %max3A_131 = vector.broadcast %max3A_130 : f32 to vector<8x1xf32>
      %max3A_132 = arith.maximumf %mul3A_97, %max3A_131 : vector<8x1xf32>
      %mul3A_133 = arith.mulf %slice3A_81, %max3A_132 : vector<8x1xf32>
      %max3A_134 = arith.constant 1.000000e-16 : f32
      %max3A_135 = vector.broadcast %max3A_134 : f32 to vector<8x1xf32>
      %max3A_136 = arith.maximumf %mul3A_133, %max3A_135 : vector<8x1xf32>
      %div3A_137 = arith.constant 1.000000e+00 : f32
      %div3A_138 = vector.broadcast %div3A_137 : f32 to vector<8x1xf32>
      %div3A_139 = arith.divf %div3A_138, %max3A_136 : vector<8x1xf32>
      %jit3A_140 = arith.constant 0.000000e+00 : f32
      %broadcast_in_dim3A_141 = vector.broadcast %jit3A_140 : f32 to vector<8x1xf32>
      %select_n3A_142 = arith.select %and3A, %div3A_139, %broadcast_in_dim3A_141 : vector<8x1xi1>, vector<8x1xf32>
      %iota3A_143 = tpu.iota {dimensions = array<i32: 0>} : vector<8x8xi32>
      %iota3A_144 = tpu.iota {dimensions = array<i32: 1>} : vector<8x8xi32>
      %eq3A_145 = arith.cmpi eq, %iota3A_143, %iota3A_144 : vector<8x8xi32>
      %broadcast_in_dim3A_146 = vector.shape_cast %select_n3A_142 : vector<8x1xf32> to vector<8x1xf32>
      %broadcast_in_dim3A_147 = vector.broadcast %broadcast_in_dim3A_146 : vector<8x1xf32> to vector<8x8xf32>
      %jit3A_148 = arith.constant 0.000000e+00 : f32
      %broadcast_in_dim3A_149 = vector.broadcast %jit3A_148 : f32 to vector<8x8xf32>
      %select_n3A_150 = arith.select %eq3A_145, %broadcast_in_dim3A_147, %broadcast_in_dim3A_149 : vector<8x8xi1>, vector<8x8xf32>
      %dot_general3A_151 = arith.constant dense<0.000000e+00> : vector<8x8xf32>
      %dot_general3A_152 = tpu.matmul %select_n3A_150, %dot_general3A_129, %dot_general3A_151 {dimension_numbers = #tpu.dot_dimension_numbers<[1], [0], [0], [1], [0, 0, 1, 1], [], []>, transpose_lhs_hint = false} : vector<8x8xf32>, vector<8x8xf32>, vector<8x8xf32> -> vector<8x8xf32>
      %dot_general3A_153 = arith.constant dense<0.000000e+00> : vector<8x8xf32>
      %dot_general3A_154 = tpu.matmul %dot_general3A_152, %select_n3A_150, %dot_general3A_153 {dimension_numbers = #tpu.dot_dimension_numbers<[1], [0], [0], [1], [0, 0, 1, 1], [], []>, transpose_lhs_hint = false} : vector<8x8xf32>, vector<8x8xf32>, vector<8x8xf32> -> vector<8x8xf32>
      %ne3A = arith.cmpi ne, %iota3A_143, %iota3A_144 : vector<8x8xi32>
      %jit3A_155 = arith.constant 0.000000e+00 : f32
      %broadcast_in_dim3A_156 = vector.broadcast %jit3A_155 : f32 to vector<8x8xf32>
      %select_n3A_157 = arith.select %ne3A, %dot_general3A_154, %broadcast_in_dim3A_156 : vector<8x8xi1>, vector<8x8xf32>
      %reduce_sum3A_158 = vector.shape_cast %select_n3A_157 : vector<8x8xf32> to vector<1x8x8xf32>
      %reduce_sum3A_159 = arith.constant dense<0.000000e+00> : vector<1xf32>
      %reduce_sum3A_160 = vector.multi_reduction <add>, %reduce_sum3A_158, %reduce_sum3A_159 [1, 2] : vector<1x8x8xf32> to vector<1xf32>
      %reduce_sum3A_161 = vector.shape_cast %reduce_sum3A_160 : vector<1xf32> to vector<1x1x1xf32>
      %reduce_sum3A_162 = vector.extract %reduce_sum3A_161[0, 0, 0] : f32 from vector<1x1x1xf32>
      %convert_element_type3A_163 = arith.extui %gt3A_84 : vector<8x1xi1> to vector<8x1xi32>
      %convert_element_type3A_164 = arith.sitofp %convert_element_type3A_163 : vector<8x1xi32> to vector<8x1xf32>
      %reduce_sum3A_165 = vector.shape_cast %convert_element_type3A_164 : vector<8x1xf32> to vector<1x8x1xf32>
      %reduce_sum3A_166 = arith.constant dense<0.000000e+00> : vector<1xf32>
      %reduce_sum3A_167 = vector.multi_reduction <add>, %reduce_sum3A_165, %reduce_sum3A_166 [1, 2] : vector<1x8x1xf32> to vector<1xf32>
      %reduce_sum3A_168 = vector.shape_cast %reduce_sum3A_167 : vector<1xf32> to vector<1x1x1xf32>
      %reduce_sum3A_169 = vector.extract %reduce_sum3A_168[0, 0, 0] : f32 from vector<1x1x1xf32>
      %div3A_170 = arith.divf %sub3A, %reduce_sum3A_169 : f32
      %sub3A_171 = arith.constant 1.000000e+00 : f32
      %sub3A_172 = arith.subf %reduce_sum3A_169, %sub3A_171 : f32
      %mul3A_173 = arith.mulf %reduce_sum3A_169, %sub3A_172 : f32
      %div3A_174 = arith.divf %reduce_sum3A_162, %mul3A_173 : f32
      %add3A_175 = arith.addf %div3A_170, %div3A_174 : f32
      %broadcast_in_dim3A_176 = vector.broadcast %add3A_175 : f32 to vector<1x1xf32>
      %swap3A_177 = arith.constant 0 : index
      %swap3A_178 = arith.constant 0 : index
      %swap3A_179 = vector.load %arg4[%swap3A_177, %swap3A_178] : memref<1x1xf32, #tpu.memory_space<vmem>>, vector<1x1xf32>
      tpu.vector_store %arg4[%swap3A_177, %swap3A_178], %broadcast_in_dim3A_176 {strides = array<i32>} : memref<1x1xf32, #tpu.memory_space<vmem>>, vector<1x1xf32>,
    } else {
    }
    return
  }
  func.func @transform_0(%arg0: i32) -> (i32, i32) {
    %c0_i32 = arith.constant 0 : i32
    %c0_i32_0 = arith.constant 0 : i32
    %c0_i32_1 = arith.constant 0 : i32
    return %c0_i32, %c0_i32_0 : i32, i32
  }
  func.func @transform_1(%arg0: i32) -> (i32, i32) {
    %c0_i32 = arith.constant 0 : i32
    %c0_i32_0 = arith.constant 0 : i32
    %c0_i32_1 = arith.constant 0 : i32
    return %c0_i32, %c0_i32_0 : i32, i32
  }
  func.func @transform_2(%arg0: i32) -> (i32, i32) {
    %c0_i32 = arith.constant 0 : i32
    %c0_i32_0 = arith.constant 0 : i32
    %c0_i32_1 = arith.constant 0 : i32
    return %c0_i32, %c0_i32_0 : i32, i32
  }
  func.func @transform_3(%arg0: i32) -> (i32, i32) {
    %c0_i32 = arith.constant 0 : i32
    %c0_i32_0 = arith.constant 0 : i32
    %c0_i32_1 = arith.constant 0 : i32
    return %c0_i32, %c0_i32_0 : i32, i32
  }
}

</mosaic_0001>

<sc_bundles>
// kernel: kernel.4.cloned.1.call-start
scs
__scs_entry_jumppad:
0x0: {  	(pc) =	sbr.rel $0x88, $3  }
0x1: {  	(tag) =	ssettag $0x0;
	lr =	simm.s32 $0x1  }
0x2: {  	[smem:$0x3F9E] =	sst lr;
	_ =	strace $0xD0000000  }
0x3: {  	_ = 	snop  }
0x4: {  	_ = 	snop  }
0x5: {  	_ = 	snop  }
0x6: {  	_ = 	snop  }
0x7: {  	_ = 	snop  }
__scs_overlays_trampoline_lowered:
0x8: {  	[smem:$0x3FAD] =	sst s0  }
0x9: {  	[smem:$0x3FAE] =	sst s1  }
0xa: {  	[smem:$0x3FAF] =	sst s2  }
0xb: {  	[smem:$0x3FB0] =	sst s3  }
0xc: {  	[smem:$0x3FB1] =	sst s4  }
0xd: {  	[smem:$0x3FB2] =	sst s5  }
0xe: {  	[smem:$0x3FB3] =	sst s6  }
0xf: {  	[smem:$0x3FB4] =	sst s7  }
0x10: {  	[smem:$0x3FB5] =	sst s8  }
0x11: {  	[smem:$0x3FB6] =	sst s9;
	s0 =	simm.s32 @!p0 $0x0  }
0x12: {  	s1 =	sld [smem:$0x3F9C];
	s0 =	simm.s32 @p0 $0x1  }
0x13: {  	[smem:$0x3FB7] =	sst s0;
	s0 =	simm.s32 @!p1 $0x0  }
0x14: {  	s2 =	sld [smem:$0x3F9B];
	s0 =	simm.s32 @p1 $0x1  }
0x15: {  	[smem:$0x3FB8] =	sst s0;
	s0 =	simm.s32 @!p2 $0x0  }
0x16: {  	s3 =	sld [smem:$0x3FDB];
	s0 =	simm.s32 @p2 $0x1  }
0x17: {  	s4 =	simm.s32 $0x1BF5;
	[smem:$0x3FBA] =	sst s0  }
0x18: {  	s0 =	sld [smem:$0x3F9D];
	_ =	swait.ge [sflag:s4], $0x0  }
0x19: {  	s7 =	sld [smem:$0x3F9E]  }
0x1a: {  	s8 =	sadd.s32 $0xFFFFE003, lr  }
0x1b: {  	s9 =	sadd.s32 $0xFFFFFEF7, lr;
	s5 =	simm.s32 $0xFFFFFFFF;
	p2 =	slt.u32 s8, $0xFFFFF086  }
0x1c: {  	p1 =	slt.u32 s9, $0xF7A;
	s5 =	simm.s32 @!p2 $0x0  }
0x1d: {  	s5 =	simm.s32 @p1 $0x1;
	p0 =	seq.s32 s7, s2  }
0x1e: {  	s7 =	smul.u32 @!p0 $0xF7A, s2;
	p2 =	seq.s32 @!p0 s5, $0x0  }
0x1f: {  	s9 =	smul.u32 $0xF7A, s1;
	s8 =	simm.s32 @!p0 $0x1BF5;
	p2 =	por !p2, p0  }
0x20: {  	[sflag:s8] =	ssyncset.s32 @!p0 $0xFFFFF086;
	s6 =	sadd.s32 @!p0 s3, s7;
	s7 =	simm.s32 @!p0 $0x108  }
0x21: {  	s3 =	sadd.s32 s3, s9;
	s6 =	sadd.s32 @!p0 $0x88, s6;
	s7 =	simm.s32 @p2 $0x1082  }
0x22: {  	[simem:s7], [sflag:s8] =	dma.local @!p0 [hbm:s6], $0xF7A  }
0x23: {  	s9 =	sor.u32 $0xD0000000, s2;
	s6 =	simm.s32 $0x108;
	_ =	swait.ge @!p0 [sflag:s8], $0x0  }
0x24: {  	s3 =	sadd.s32 $0x88, s3;
	s6 =	simm.s32 @!p1 $0x1082;
	[sflag:s4] =	ssyncset.s32 $0xFFFFF086  }
0x25: {  	[simem:s6], [sflag:s4] =	dma.local [hbm:s3], $0xF7A  }
0x26: {  	[smem:$0x3F9E] =	sst s1;
	(tag) =	ssettag s2;
	_ =	strace s9  }
0x27: {  	s1 =	sld [smem:$0x3FAE]  }
0x28: {  	s2 =	sld [smem:$0x3FAF]  }
0x29: {  	s4 =	sld [smem:$0x3FB1]  }
0x2a: {  	p0 =	seq.s32 s5, $0x0;
	s5 =	sld [smem:$0x3FB2]  }
0x2b: {  	s6 =	sld [smem:$0x3FB3]  }
0x2c: {  	s7 =	sld [smem:$0x3FB4]  }
0x2d: {  	s3 =	simm.s32 $0x108;
	s8 =	sld [smem:$0x3FB5]  }
0x2e: {  	s3 =	simm.s32 @!p0 $0x1082;
	s9 =	sld [smem:$0x3FB6]  }
0x2f: {  	lr =	sadd.s32 s0, s3;
	s0 =	sld [smem:$0x3FAD]  }
0x30: {  	s3 =	sld [smem:$0x3FB0]  }
0x31: {  	[smem:$0x3FB9] =	sst s10  }
0x32: {  	s10 =	sld [smem:$0x3FB7];
	_ =	sdelay $0x3  }
0x33: {  	p0 =	seq.s32 s10, $0x1;
	s10 =	sld [smem:$0x3FB9];
	_ =	sdelay $0x3  }
0x34: {  	[smem:$0x3FB9] =	sst s10  }
0x35: {  	s10 =	sld [smem:$0x3FB8];
	_ =	sdelay $0x3  }
0x36: {  	p1 =	seq.s32 s10, $0x1;
	s10 =	sld [smem:$0x3FB9];
	_ =	sdelay $0x3  }
0x37: {  	[smem:$0x3FB9] =	sst s10  }
0x38: {  	s10 =	sld [smem:$0x3FBA]  }
0x39: {  	_ = 	snop;
	(pc) =	sbr.ind lr, $3  }
0x3a: {  	_ = 	snop  }
0x3b: {  	_ = 	snop  }
0x3c: {  	p2 =	seq.s32 s10, $0x1;
	s10 =	sld [smem:$0x3FB9]  }
0x3d: {  	_ =	shalt  }
0x3e: {  	_ =	shalt  }
0x3f: {  	_ =	shalt  }
0x40: {  	_ =	shalt  }
0x41: {  	_ =	shalt  }
0x42: {  	_ =	shalt  }
0x43: {  	_ =	shalt  }
0x44: {  	_ =	shalt  }
0x45: {  	_ =	shalt  }
0x46: {  	_ =	shalt  }
0x47: {  	_ =	shalt  }
0x48: {  	_ =	shalt  }
0x49: {  	_ =	shalt  }
0x4a: {  	_ =	shalt  }
0x4b: {  	_ =	shalt  }
0x4c: {  	_ =	shalt  }
0x4d: {  	_ =	shalt  }
0x4e: {  	_ =	shalt  }
0x4f: {  	_ =	shalt  }
0x50: {  	_ =	shalt  }
0x51: {  	_ =	shalt  }
0x52: {  	_ =	shalt  }
0x53: {  	_ =	shalt  }
0x54: {  	_ =	shalt  }
0x55: {  	_ =	shalt  }
0x56: {  	_ =	shalt  }
0x57: {  	_ =	shalt  }
0x58: {  	_ =	shalt  }
0x59: {  	_ =	shalt  }
0x5a: {  	_ =	shalt  }
0x5b: {  	_ =	shalt  }
0x5c: {  	_ =	shalt  }
0x5d: {  	_ =	shalt  }
0x5e: {  	_ =	shalt  }
0x5f: {  	_ =	shalt  }
0x60: {  	_ =	shalt  }
0x61: {  	_ =	shalt  }
0x62: {  	_ =	shalt  }
0x63: {  	_ =	shalt  }
0x64: {  	_ =	shalt  }
0x65: {  	_ =	shalt  }
0x66: {  	_ =	shalt  }
0x67: {  	_ =	shalt  }
0x68: {  	_ =	shalt  }
0x69: {  	_ =	shalt  }
0x6a: {  	_ =	shalt  }
0x6b: {  	_ =	shalt  }
0x6c: {  	_ =	shalt  }
0x6d: {  	_ =	shalt  }
0x6e: {  	_ =	shalt  }
0x6f: {  	_ =	shalt  }
0x70: {  	_ =	shalt  }
0x71: {  	_ =	shalt  }
0x72: {  	_ =	shalt  }
0x73: {  	_ =	shalt  }
0x74: {  	_ =	shalt  }
0x75: {  	_ =	shalt  }
0x76: {  	_ =	shalt  }
0x77: {  	_ =	shalt  }
0x78: {  	_ =	shalt  }
0x79: {  	_ =	shalt  }
0x7a: {  	_ =	shalt  }
0x7b: {  	_ =	shalt  }
0x7c: {  	_ =	shalt  }
0x7d: {  	_ =	shalt  }
0x7e: {  	_ =	shalt  }
0x7f: {  	_ =	shalt  }
0x80: {  	_ =	shalt  }
0x81: {  	_ =	shalt  }
0x82: {  	_ =	shalt  }
0x83: {  	_ =	shalt  }
0x84: {  	_ =	shalt  }
0x85: {  	_ =	shalt  }
0x86: {  	_ =	shalt  }
0x87: {  	_ =	shalt  }
.Lfunc_end0:
.L_simem_size_0:
called_computation_lowered:
.L_overlay_start_0:
0x88: {  	s2 =	sld [smem:$0x3FD9]  }
0x89: {  	s3 =	sld [smem:$0x3FFE];
	_ =	sdelay $0x1  }
0x8a: {  	s1 =	srdreg.scid  }
0x8b: {  	s0 =	sand.u32 $0x1, s1  }
0x8c: {  	s17 =	sshll.u32 s0, $0xA;
	s2 =	sadd.s32 s3, s2  }
0x8d: {  	s2 =	sadd.s32 s2, s17  }
0x8e: {  	[smem:$0x3FC5] =	sst s2  }
0x8f: {  	_ = 	snop  }
0x90: {  	s2 =	sld [smem:$0x3FC7];
	(tm) =	ssettm $0x1  }
0x91: {  	s18 =	sld [smem:$0x3FFB];
	_ =	sdelay $0x3  }
0x92: {  	_ =	strace s18  }
0x93: {  	s3 =	sld [smem:$0x3FFC];
	_ =	sdelay $0x3  }
0x94: {  	_ =	strace s3  }
0x95: {  	s3 =	sld [smem:$0x3FFD];
	_ =	sdelay $0x3  }
0x96: {  	_ =	strace s3  }
0x97: {  	_ =	strace $0x8FFFFFFF  }
0x98: {  	s19 =	sld [smem:$0x3FDB];
	_ =	sdelay $0x1  }
0x99: {  	s4 =	simm.s32 $_scs_section_size  }
0x9a: {  	s5 =	simm.s32 $_size__tile_overlayer_lowered;
	s6 =	simm.s32 $_tile_overlayer_lowered  }
0x9b: {  	s22 =	simm.s32 $0x1BFF;
	s21 =	sshll.u32 s6, $0x1;
	s3 =	sadd.s32 s4, s19  }
0x9c: {  	s7 =	simm.s32 $0x0;
	s20 =	sshll.u32 s5, $0x1;
	s5 =	sadd.s32 s21, s3  }
0x9d: {  	[timem:s7], [sflag:s22] =	dma.local [hbm:s5], s20  }
0x9e: {  	_ =	swait.ge [sflag:s22], s20  }
0x9f: {  	s4 =	ssub.s32 $0x0, s20;
	[sflag:s22] =	ssyncset.done $0x0  }
0xa0: {  	[sflag:s22] =	ssyncadd.s32 s4;
	_ =	sdelay $0x1  }
0xa1: {  	s23 =	simm.s32 $0x1B8B  }
0xa2: {  	_ =	swait.ge [sflag:s23], $0x1  }
0xa3: {  	[sflag:s23] =	ssyncset.done $0x0  }
0xa4: {  	s25 =	simm.s32 $0x1B8E;
	s24 =	sld [smem:$0x3FFE];
	[sflag:s23] =	ssyncadd.s32 $0xFFFFFFFF  }
0xa5: {  	s26 =	simm.s32 $execute0_lowered;
	[smem:$0x3FD2] =	sst s25  }
0xa6: {  	s5 =	sshll.u32 s26, $0x1;
	_ =	strace $0x80000046;
	[dreg:$0x1] =	wrdreg $0xFFFFFFFF  }
0xa7: {  	s28 =	simm.s32 $_size_execute0_lowered;
	s3 =	sadd.s32 s3, s5;
	[dreg:$0x0] =	wrdreg $0x0  }
0xa8: {  	s5 =	sshll.u32 s28, $0x1;
	[dreg:$0x2] =	wrdreg s3  }
0xa9: {  	[dreg:$0x3] =	wrdreg s5  }
0xaa: {  	[dreg:$0x4] =	wrdreg $0xC0  }
0xab: {  	_ =	task [dreg:s7], $0x5FFFF  }
0xac: {  	[dreg:$0x1] =	wrdreg $0xFFFFFFFF  }
0xad: {  	[dreg:$0x0] =	wrdreg $0x60  }
0xae: {  	[dreg:$0x2] =	wrdreg s24  }
0xaf: {  	[dreg:$0x3] =	wrdreg s2  }
0xb0: {  	[dreg:$0x4] =	wrdreg $0x29000  }
0xb1: {  	[dreg:$0x5] =	wrdreg $0x9  }
0xb2: {  	_ =	task.clear_ibuf [dreg:s7], $0x6FFFF;
	_ =	strace $0x90000046  }
0xb3: {  	s29 =	simm.s32 $0x9;
	_ =	strace $0x80000048  }
0xb4: {  	_ =	swait.ge [sflag:s29], $0x1  }
0xb5: {  	[sflag:s29] =	ssyncadd.s32 $0xFFFFFFFF  }
0xb6: {  	_ =	strace $0x90000048  }
0xb7: {  	_ =	sfence  }
0xb8: {  	s30 =	sld [smem:$0x0];
	_ =	sdelay $0x2  }
0xb9: {  	s31 =	sshll.u32 s1, $0xD;
	s1 =	sshrl.u32 s1, $0x2  }
0xba: {  	s3 =	sand.u32 $0x4000, s31;
	s1 =	sadd.s32 s1, s30  }
0xbb: {  	s0 =	sor.u32 s3, s0;
	s1 =	sshll.u32 s1, $0x11  }
0xbc: {  	s0 =	sor.u32 s1, s0  }
0xbd: {  	s0 =	sadd.s32 $0x8F2B, s0  }
0xbe: {  	[sflag:s0] =	ssyncadd.remote.s32 $0x1  }
0xbf: {  	_ =	sfence.sel $0xFFFF  }
0xc0: {  	[dreg:$0x0] =	wrdreg $0xFFFFFFFF;
	(pc) =	sbr.abs _section_cstart, $3  }
0xc1: {  	[dreg:$0x1] =	wrdreg $0xFFFFFFFF  }
0xc2: {  	_ =	task.clear_ibuf [dreg:s7], $0x2FFFF;
	_ =	strace $0x9FFFFFFF  }
0xc3: {  	(tm) =	ssettm $0x7FFFFFFF  }
tec
execute0_lowered:
.L_overlay_start_1:
0x0: {  	(tag) =	ssettag $0x1  }
0x1: {  	s4 =	rddreg [dreg:$0x0];
	v0 =	vlaneseq.u32  }
0x2: {  	s5 =	rddreg [dreg:$0x1];
	v1 =	vimm.f32 $0.0e+00;
	v2 =	vimm.f32 $1.000000000e+00;
	v3 =	vmul.u32 $0x10, v0  }
0x3: {  	s1 =	rddreg [dreg:$0x2];
	v4 =	vor.u32 $0x80, v0;
	v5 =	vor.u32 $0x100, v0;
	v36 =	vand.u32 $0x7, v0  }
0x4: {  	s0 =	rddreg [dreg:$0x3];
	s2 =	simm.s32 $0x0;
	s6 =	srdreg.scid;
	v6 =	vor.u32 $0x180, v0;
	v41 =	vor.u32 $0x18, v0;
	v39 =	vor.u32 $0x8, v36  }
0x5: {  	s3 =	stileid.u32;
	s12 =	simm.s32 $0x800;
	s13 =	simm.s32 $0x1000;
	v40 =	vor.u32 $0x10, v36;
	v7 =	vor.u32 $0x100, v3;
	v8 =	vor.u32 $0x1, v3  }
0x6: {  	s14 =	simm.s32 $0x1;
	s15 =	simm.s32 $0x2400;
	s16 =	simm.s32 $0x2680;
	v9 =	vor.u32 $0x101, v3;
	v10 =	vor.u32 $0x2, v3;
	v11 =	vor.u32 $0x102, v3  }
0x7: {  	s17 =	simm.s32 $0x2;
	s18 =	simm.s32 $0x2700;
	s20 =	simm.s32 $0x2000;
	v12 =	vor.u32 $0x3, v3;
	v13 =	vor.u32 $0x103, v3;
	v14 =	vor.u32 $0x4, v3  }
0x8: {  	[smem:$0x7FF] =	sst s2;
	s6 =	sand.u32 $0x1, s6;
	s7 =	sshll.u32 s3, $0xB;
	v15 =	vor.u32 $0x104, v3;
	v16 =	vor.u32 $0x5, v3;
	v17 =	vor.u32 $0x105, v3  }
0x9: {  	s8 =	sshll.u32 s3, $0x8;
	s31 =	sshll.u32 s3, $0x5;
	_ =	strace $0x80000047;
	v18 =	vor.u32 $0x6, v3;
	v19 =	vor.u32 $0x106, v3;
	v20 =	vor.u32 $0x7, v3  }
0xa: {  	s21 =	sshll.u32 s6, $0xA;
	s6 =	ssub.s32 $0x2, s6;
	s9 =	sadd.s32 s8, s4;
	v21 =	vor.u32 $0x107, v3;
	v22 =	vor.u32 $0x8, v3;
	v23 =	vor.u32 $0x108, v3  }
0xb: {  	s7 =	sor.u32 s21, s7;
	s10 =	sshrl.u32 s6, $0x1;
	v24 =	vor.u32 $0x9, v3;
	v25 =	vor.u32 $0x109, v3;
	v26 =	vor.u32 $0xA, v3;
	s22 =	sor.u32 $0x1000, s21  }
0xc: {  	v27 =	vor.u32 $0x10A, v3;
	v28 =	vor.u32 $0xB, v3;
	s23 =	sor.u32 $0x800, s21;
	s19 =	sor.u32 $0x1800, s21;
	v43 =	vmov s21;
	s21 =	simm.s32 $0x0  }
0xd: {  	v29 =	vor.u32 $0x10B, v3;
	v30 =	vor.u32 $0xC, v3;
	v31 =	vor.u32 $0x10C, v3;
	s7 =	sshrl.u32 s7, $0x3;
	s10 =	ssub.s32 s6, s10;
	s6 =	sadd.s32 $0x1C00, s9  }
0xe: {  	v32 =	vor.u32 $0xD, v3;
	v33 =	vor.u32 $0x10D, v3;
	v42 =	vmov s19;
	s19 =	simm.s32 $0x2600;
	s11 =	sadd.s32 s7, s4;
	s4 =	sadd.s32 s5, s8  }
0xf: {  	v34 =	vor.u32 $0xE, v3;
	v35 =	vor.u32 $0x10E, v3;
	v37 =	vor.u32 $0xF, v3;
	s5 =	sadd.s32 $0x2C00, s9;
	s7 =	sadd.s32 $0xC00, s9;
	s8 =	sadd.s32 s31, s1  }
0x10: {  	v38 =	vor.u32 $0x10F, v3;
	v44 =	vmov s23;
	v45 =	vmov s22;
	s10 =	smax.u32 s10, $0x1;
	s9 =	sadd.s32 $0x3C00, s11;
	s11 =	simm.s32 $0x1800  }
.LBB2_1:
0x11: {  	[tilespmem:s11], [sflag:$0x1] =	stream.linear.gather [hbm4b:s4+s2], $0x800, $0x38;
	[tilespmem:$0x2920] =	vst v63  }
0x12: {  	_ = 	snop  }
0x13: {  	[tilespmem:s2], [sflag:$0x1] =	stream.linear.gather [hbm4b:s5+s2], $0x800, $0x38;
	[tilespmem:$0x2920] =	vst v63  }
0x14: {  	_ = 	snop  }
0x15: {  	[tilespmem:s12], [sflag:$0x1] =	stream.linear.gather [hbm4b:s6+s2], $0x800, $0x38;
	[tilespmem:$0x2920] =	vst v63  }
0x16: {  	_ = 	snop  }
0x17: {  	[tilespmem:s13], [sflag:$0x1] =	stream.linear.gather [hbm4b:s7+s2], $0x800, $0x38;
	[tilespmem:$0x2920] =	vst v63  }
0x18: {  	[tilespmem:$0x2400] =	vst v1  }
0x19: {  	[tilespmem:$0x2410] =	vst v1  }
0x1a: {  	[tilespmem:$0x2420] =	vst v1  }
0x1b: {  	[tilespmem:$0x2430] =	vst v1  }
0x1c: {  	[tilespmem:$0x2440] =	vst v1  }
0x1d: {  	[tilespmem:$0x2450] =	vst v1  }
0x1e: {  	[tilespmem:$0x2460] =	vst v1  }
0x1f: {  	[tilespmem:$0x2470] =	vst v1  }
0x20: {  	[tilespmem:$0x2480] =	vst v1  }
0x21: {  	[tilespmem:$0x2490] =	vst v1  }
0x22: {  	[tilespmem:$0x24A0] =	vst v1  }
0x23: {  	[tilespmem:$0x24B0] =	vst v1  }
0x24: {  	[tilespmem:$0x24C0] =	vst v1  }
0x25: {  	[tilespmem:$0x24D0] =	vst v1  }
0x26: {  	[tilespmem:$0x24E0] =	vst v1  }
0x27: {  	[tilespmem:$0x24F0] =	vst v1  }
0x28: {  	[tilespmem:$0x2500] =	vst v1  }
0x29: {  	[tilespmem:$0x2510] =	vst v1  }
0x2a: {  	[tilespmem:$0x2520] =	vst v1  }
0x2b: {  	[tilespmem:$0x2530] =	vst v1  }
0x2c: {  	[tilespmem:$0x2540] =	vst v1  }
0x2d: {  	[tilespmem:$0x2550] =	vst v1  }
0x2e: {  	[tilespmem:$0x2560] =	vst v1  }
0x2f: {  	[tilespmem:$0x2570] =	vst v1  }
0x30: {  	[tilespmem:$0x2580] =	vst v1  }
0x31: {  	[tilespmem:$0x2590] =	vst v1  }
0x32: {  	[tilespmem:$0x25A0] =	vst v1  }
0x33: {  	[tilespmem:$0x25B0] =	vst v1  }
0x34: {  	[tilespmem:$0x25C0] =	vst v1  }
0x35: {  	[tilespmem:$0x25D0] =	vst v1  }
0x36: {  	[tilespmem:$0x25E0] =	vst v1  }
0x37: {  	[tilespmem:$0x25F0] =	vst v1  }
0x38: {  	_ =	swait.ge [sflag:s14], $0x800  }
0x39: {  	[sflag:s14] =	ssyncset.done $0x0  }
0x3a: {  	[sflag:s14] =	ssyncadd.s32 $0xFFFFF800  }
0x3b: {  	_ =	swait.ge [sflag:s14], $0x800  }
0x3c: {  	[sflag:s14] =	ssyncset.done $0x0  }
0x3d: {  	[sflag:s14] =	ssyncadd.s32 $0xFFFFF800  }
0x3e: {  	_ =	swait.ge [sflag:s14], $0x800  }
0x3f: {  	[sflag:s14] =	ssyncset.done $0x0  }
0x40: {  	[sflag:s14] =	ssyncadd.s32 $0xFFFFF800  }
0x41: {  	_ =	swait.ge [sflag:s14], $0x800  }
0x42: {  	[sflag:s14] =	ssyncset.done $0x0  }
0x43: {  	s23 =	simm.s32 $0x0;
	[sflag:s14] =	ssyncadd.s32 $0xFFFFF800  }
0x44: {  	v48 =	vld [tilespmem:s23+$0x1800]  }
0x45: {  	v46 =	vld [tilespmem:s23+$0x1000]  }
0x46: {  	s22 =	simm.s32 $0x40;
	v47 =	vld [tilespmem:s23+$0x800]  }
.LBB2_2:
0x47: {  	p0 =	sne.s32 s22, $0x1FC0;
	v49 =	vld [tilespmem:s23+$0x0];
	_ =	sdelay $0x1  }
0x48: {  	v48 =	vshll.u32 v48, $0x4  }
0x49: {  	v50 =	vor.u32 v0, v48  }
0x4a: {  	v51 =	vadd.s32 v4, v48  }
0x4b: {  	v52 =	vadd.s32 v5, v48  }
0x4c: {  	v48 =	vadd.s32 v6, v48;
	_ =	sdelay $0x1  }
0x4d: {  	[tilespmem:v50+s15+$0x0] =	vst.idx.add.f32.msk $0xffff, v2  }
0x4e: {  	[tilespmem:v51+s15+$0x0] =	vst.idx.add.f32.msk $0xffff, v49  }
.Ltmp0:
0x4f: {  	[tilespmem:v52+s15+$0x0] =	vst.idx.add.f32.msk $0xffff, v47;
	(pc) =	sbr.rel @p0 .LBB2_2-.Ltmp0, $4  }
0x50: {  	s23 =	sshra.s32 s22, $0x2;
	[tilespmem:v48+s15+$0x0] =	vst.idx.add.f32.msk $0xffff, v46  }
0x51: {  	v48 =	vld [tilespmem:s23+$0x1800]  }
0x52: {  	v46 =	vld [tilespmem:s23+$0x1000]  }
0x53: {  	s22 =	sadd.s32 $0x40, s22;
	v47 =	vld [tilespmem:s23+$0x800]  }
0x54: {  	_ =	sdelay $0x1  }
0x55: {  	v48 =	vshll.u32 v48, $0x4  }
0x56: {  	v49 =	vor.u32 v0, v48  }
0x57: {  	v50 =	vld [tilespmem:s23+$0x0];
	v51 =	vadd.s32 v4, v48  }
0x58: {  	v52 =	vadd.s32 v5, v48  }
0x59: {  	v48 =	vadd.s32 v6, v48;
	_ =	sdelay $0x1  }
0x5a: {  	[tilespmem:v49+s15+$0x0] =	vst.idx.add.f32.msk $0xffff, v2  }
0x5b: {  	[tilespmem:v51+s15+$0x0] =	vst.idx.add.f32.msk $0xffff, v50  }
0x5c: {  	[tilespmem:v52+s15+$0x0] =	vst.idx.add.f32.msk $0xffff, v47  }
0x5d: {  	[tilespmem:v48+s15+$0x0] =	vst.idx.add.f32.msk $0xffff, v46  }
0x5e: {  	v46 =	vld.idx.msk [tilespmem:v3+s15+$0x0], $0xffff  }
0x5f: {  	v47 =	vld.idx.msk [tilespmem:v7+s15+$0x0], $0xffff  }
0x60: {  	v48 =	vld.idx.msk [tilespmem:v8+s15+$0x0], $0xffff  }
0x61: {  	v49 =	vld.idx.msk [tilespmem:v9+s15+$0x0], $0xffff  }
0x62: {  	v50 =	vld.idx.msk [tilespmem:v10+s15+$0x0], $0xffff  }
0x63: {  	v51 =	vld.idx.msk [tilespmem:v11+s15+$0x0], $0xffff;
	v46 =	vadd.f32 $0.0e+00, v46  }
0x64: {  	v52 =	vld.idx.msk [tilespmem:v12+s15+$0x0], $0xffff;
	v47 =	vadd.f32 $0.0e+00, v47  }
0x65: {  	v58 =	vld.idx.msk [tilespmem:v13+s15+$0x0], $0xffff;
	v46 =	vadd.f32 v48, v46  }
0x66: {  	v59 =	vld.idx.msk [tilespmem:v14+s15+$0x0], $0xffff;
	v47 =	vadd.f32 v49, v47  }
0x67: {  	v60 =	vld.idx.msk [tilespmem:v15+s15+$0x0], $0xffff;
	v46 =	vadd.f32 v50, v46  }
0x68: {  	v61 =	vld.idx.msk [tilespmem:v16+s15+$0x0], $0xffff;
	v47 =	vadd.f32 v51, v47  }
0x69: {  	v62 =	vld.idx.msk [tilespmem:v17+s15+$0x0], $0xffff;
	v46 =	vadd.f32 v52, v46  }
0x6a: {  	v63 =	vld.idx.msk [tilespmem:v18+s15+$0x0], $0xffff;
	v47 =	vadd.f32 v58, v47  }
0x6b: {  	v56 =	vld.idx.msk [tilespmem:v19+s15+$0x0], $0xffff;
	v46 =	vadd.f32 v59, v46  }
0x6c: {  	v57 =	vld.idx.msk [tilespmem:v20+s15+$0x0], $0xffff;
	v47 =	vadd.f32 v60, v47  }
0x6d: {  	v58 =	vld.idx.msk [tilespmem:v21+s15+$0x0], $0xffff;
	v46 =	vadd.f32 v61, v46  }
0x6e: {  	v59 =	vld.idx.msk [tilespmem:v22+s15+$0x0], $0xffff;
	v47 =	vadd.f32 v62, v47  }
0x6f: {  	v60 =	vld.idx.msk [tilespmem:v23+s15+$0x0], $0xffff;
	v46 =	vadd.f32 v63, v46  }
0x70: {  	v61 =	vld.idx.msk [tilespmem:v24+s15+$0x0], $0xffff;
	v47 =	vadd.f32 v56, v47  }
0x71: {  	v62 =	vld.idx.msk [tilespmem:v25+s15+$0x0], $0xffff;
	v46 =	vadd.f32 v57, v46  }
0x72: {  	v63 =	vld.idx.msk [tilespmem:v26+s15+$0x0], $0xffff;
	v47 =	vadd.f32 v58, v47  }
0x73: {  	v56 =	vld.idx.msk [tilespmem:v27+s15+$0x0], $0xffff;
	v46 =	vadd.f32 v59, v46  }
0x74: {  	v57 =	vld.idx.msk [tilespmem:v28+s15+$0x0], $0xffff;
	v47 =	vadd.f32 v60, v47  }
0x75: {  	v58 =	vld.idx.msk [tilespmem:v29+s15+$0x0], $0xffff;
	v46 =	vadd.f32 v61, v46  }
0x76: {  	v59 =	vld.idx.msk [tilespmem:v30+s15+$0x0], $0xffff;
	v47 =	vadd.f32 v62, v47  }
0x77: {  	v60 =	vld.idx.msk [tilespmem:v31+s15+$0x0], $0xffff;
	v46 =	vadd.f32 v63, v46  }
0x78: {  	v61 =	vld.idx.msk [tilespmem:v32+s15+$0x0], $0xffff;
	v47 =	vadd.f32 v56, v47  }
0x79: {  	v62 =	vld.idx.msk [tilespmem:v33+s15+$0x0], $0xffff;
	v46 =	vadd.f32 v57, v46  }
0x7a: {  	v63 =	vld.idx.msk [tilespmem:v34+s15+$0x0], $0xffff;
	v47 =	vadd.f32 v58, v47  }
0x7b: {  	v56 =	vld.idx.msk [tilespmem:v35+s15+$0x0], $0xffff;
	v46 =	vadd.f32 v59, v46  }
0x7c: {  	v57 =	vld.idx.msk [tilespmem:v37+s15+$0x0], $0xffff;
	v47 =	vadd.f32 v60, v47  }
0x7d: {  	v58 =	vld.idx.msk [tilespmem:v38+s15+$0x0], $0xffff;
	v46 =	vadd.f32 v61, v46  }
0x7e: {  	v47 =	vadd.f32 v62, v47  }
0x7f: {  	v46 =	vadd.f32 v63, v46  }
0x80: {  	v47 =	vadd.f32 v56, v47  }
0x81: {  	v46 =	vadd.f32 v57, v46  }
0x82: {  	v47 =	vadd.f32 v58, v47  }
0x83: {  	[tilespmem:$0x2680] =	vst v46  }
0x84: {  	[tilespmem:$0x2690] =	vst v47  }
0x85: {  	[spmem:s8] =	stream.linear.scatter [tilespmem:s16], [sflag:$0x2], $0x20, $0x38;
	[tilespmem:$0x2920] =	vst v63  }
0x86: {  	_ =	swait.ge [sflag:s17], $0x20  }
0x87: {  	[sflag:s17] =	ssyncset.done $0x0  }
0x88: {  	[sflag:s17] =	ssyncadd.s32 $0xFFFFFFE0  }
0x89: {  	[bflag:$0x0] =	sbarrier.arrive $0xFFFF  }
0x8a: {  	[tilespmem:s18], [sflag:$0x2] =	stream.linear.gather [spmem:s1], $0x200, $0x38;
	[tilespmem:$0x2920] =	vst v63  }
0x8b: {  	_ =	swait.ge [sflag:s17], $0x200  }
0x8c: {  	[sflag:s17] =	ssyncset.done $0x0  }
0x8d: {  	[sflag:s17] =	ssyncadd.s32 $0xFFFFFE00  }
0x8e: {  	v59 =	vld [tilespmem:$0x2700]  }
0x8f: {  	v60 =	vld [tilespmem:$0x2710]  }
0x90: {  	v61 =	vld [tilespmem:$0x2720]  }
0x91: {  	v62 =	vld [tilespmem:$0x2730]  }
0x92: {  	v63 =	vld [tilespmem:$0x2740]  }
0x93: {  	v56 =	vld [tilespmem:$0x2750];
	v46 =	vadd.f32 $0.0e+00, v59  }
0x94: {  	v57 =	vld [tilespmem:$0x2760];
	v47 =	vadd.f32 $0.0e+00, v60  }
0x95: {  	v58 =	vld [tilespmem:$0x2770];
	v46 =	vadd.f32 v61, v46  }
0x96: {  	v59 =	vld [tilespmem:$0x2780];
	v47 =	vadd.f32 v62, v47  }
0x97: {  	v60 =	vld [tilespmem:$0x2790];
	v46 =	vadd.f32 v63, v46  }
0x98: {  	v61 =	vld [tilespmem:$0x27A0];
	v47 =	vadd.f32 v56, v47  }
0x99: {  	v62 =	vld [tilespmem:$0x27B0];
	v46 =	vadd.f32 v57, v46  }
0x9a: {  	v63 =	vld [tilespmem:$0x27C0];
	v47 =	vadd.f32 v58, v47  }
0x9b: {  	v56 =	vld [tilespmem:$0x27D0];
	v46 =	vadd.f32 v59, v46  }
0x9c: {  	v57 =	vld [tilespmem:$0x27E0];
	v47 =	vadd.f32 v60, v47  }
0x9d: {  	v58 =	vld [tilespmem:$0x27F0];
	v46 =	vadd.f32 v61, v46  }
0x9e: {  	v59 =	vld [tilespmem:$0x2800];
	v47 =	vadd.f32 v62, v47  }
0x9f: {  	v60 =	vld [tilespmem:$0x2810];
	v46 =	vadd.f32 v63, v46  }
0xa0: {  	v61 =	vld [tilespmem:$0x2820];
	v47 =	vadd.f32 v56, v47  }
0xa1: {  	v62 =	vld [tilespmem:$0x2830];
	v46 =	vadd.f32 v57, v46  }
0xa2: {  	v63 =	vld [tilespmem:$0x2840];
	v47 =	vadd.f32 v58, v47  }
0xa3: {  	v56 =	vld [tilespmem:$0x2850];
	v46 =	vadd.f32 v59, v46  }
0xa4: {  	v57 =	vld [tilespmem:$0x2860];
	v47 =	vadd.f32 v60, v47  }
0xa5: {  	v58 =	vld [tilespmem:$0x2870];
	v46 =	vadd.f32 v61, v46  }
0xa6: {  	v59 =	vld [tilespmem:$0x2880];
	v47 =	vadd.f32 v62, v47  }
0xa7: {  	v60 =	vld [tilespmem:$0x2890];
	v46 =	vadd.f32 v63, v46  }
0xa8: {  	v61 =	vld [tilespmem:$0x28A0];
	v47 =	vadd.f32 v56, v47  }
0xa9: {  	v62 =	vld [tilespmem:$0x28B0];
	v46 =	vadd.f32 v57, v46  }
0xaa: {  	v63 =	vld [tilespmem:$0x28C0];
	v47 =	vadd.f32 v58, v47  }
0xab: {  	v56 =	vld [tilespmem:$0x28D0];
	v46 =	vadd.f32 v59, v46  }
0xac: {  	v57 =	vld [tilespmem:$0x28E0];
	v47 =	vadd.f32 v60, v47  }
0xad: {  	v58 =	vld [tilespmem:$0x28F0];
	v46 =	vadd.f32 v61, v46  }
0xae: {  	v47 =	vadd.f32 v62, v47  }
0xaf: {  	v46 =	vadd.f32 v63, v46  }
0xb0: {  	v47 =	vadd.f32 v56, v47  }
0xb1: {  	v46 =	vadd.f32 v57, v46  }
0xb2: {  	v47 =	vadd.f32 v58, v47  }
0xb3: {  	[tilespmem:$0x2600] =	vst v46  }
0xb4: {  	[tilespmem:$0x2610] =	vst v47  }
0xb5: {  	v46 =	vld.idx.msk [tilespmem:v36+s19+$0x0], $0xffff;
	_ =	sdelay $0x4  }
0xb6: {  	vm0 =	vgt.f32 v46, $0.0e+00  }
0xb7: {  	v46 =	vnsel vm0, $0x3F800000, v46  }
0xb8: {  	(erf) = vrcp.f32 v46;
	_ =	sdelay $0x4  }
0xb9: {  	v59 =	vld.idx.msk [tilespmem:v39+s19+$0x0], $0xffff  }
0xba: {  	v47 =	vld.idx.msk [tilespmem:v40+s19+$0x0], $0xffff  }
0xbb: {  	v60 =	vld.idx.msk [tilespmem:v41+s19+$0x0], $0xffff;
	_ =	sdelay $0x1  }
0xbc: {  	v61 =	vpop (erf)  }
0xbd: {  	v46 =	vmul.f32 v61, v59  }
0xbe: {  	v47 =	vmul.f32 v61, v47  }
0xbf: {  	v48 =	vmul.f32 v61, v60;
	v46 =	vnsel vm0, $0x0, v46  }
0xc0: {  	v62 =	vnsel vm0, $0x0, v47;
	[tilespmem:$0x2620] =	vst v46  }
0xc1: {  	v63 =	vnsel vm0, $0x0, v48;
	[tilespmem:$0x2630] =	vst v62  }
0xc2: {  	s22 =	simm.s32 $0x0;
	[tilespmem:$0x2640] =	vst v63  }
0xc3: {  	s23 =	simm.s32 $0x40;
	v46 =	vld.idx.msk [tilespmem:v42+s22+$0x0 ss:$0x1], $0xffff  }
.LBB2_4:
0xc4: {  	p0 =	sne.s32 s23, $0xFC0;
	_ =	sdelay $0x4  }
0xc5: {  	v47 =	vadd.s32 $0x20, v46  }
0xc6: {  	v48 =	vadd.s32 $0x30, v46;
	_ =	sdelay $0x1  }
0xc7: {  	v46 =	vadd.s32 $0x40, v46;
	v49 =	vld.idx.msk [tilespmem:v43+s22+$0x0 ss:$0x1], $0xffff  }
0xc8: {  	v50 =	vld.idx.msk [tilespmem:v44+s22+$0x0 ss:$0x1], $0xffff  }
0xc9: {  	v47 =	vld.idx.msk [tilespmem:v47+s19+$0x0], $0xffff  }
0xca: {  	v48 =	vld.idx.msk [tilespmem:v48+s19+$0x0], $0xffff  }
0xcb: {  	v51 =	vld.idx.msk [tilespmem:v45+s22+$0x0 ss:$0x1], $0xffff  }
0xcc: {  	v46 =	vld.idx.msk [tilespmem:v46+s19+$0x0], $0xffff;
	_ =	sdelay $0x3  }
0xcd: {  	v47 =	vsub.f32 v49, v47;
	v48 =	vsub.f32 v50, v48;
	_ =	sdelay $0x1  }
0xce: {  	v47 =	vmul.f32 v47, v47;
	v46 =	vsub.f32 v51, v46;
	v48 =	vmul.f32 v48, v48;
	_ =	sdelay $0x1  }
0xcf: {  	v47 =	vadd.f32 v48, v47;
	v46 =	vmul.f32 v46, v46  }
.Ltmp1:
0xd0: {  	(pc) =	sbr.rel @p0 .LBB2_4-.Ltmp1, $3  }
0xd1: {  	v46 =	vadd.f32 v46, v47;
	_ =	sdelay $0x1  }
0xd2: {  	[tilespmem:s22+$0x2000] =	vst v46;
	s22 =	sshra.s32 s23, $0x2  }
0xd3: {  	s23 =	sadd.s32 $0x40, s23;
	v46 =	vld.idx.msk [tilespmem:v42+s22+$0x0 ss:$0x1], $0xffff  }
0xd4: {  	_ =	sdelay $0x3  }
0xd5: {  	v47 =	vadd.s32 $0x20, v46  }
0xd6: {  	v48 =	vadd.s32 $0x30, v46;
	_ =	sdelay $0x1  }
0xd7: {  	v49 =	vld.idx.msk [tilespmem:v43+s22+$0x0 ss:$0x1], $0xffff;
	v63 =	vadd.s32 $0x40, v46  }
0xd8: {  	v50 =	vld.idx.msk [tilespmem:v44+s22+$0x0 ss:$0x1], $0xffff  }
0xd9: {  	v47 =	vld.idx.msk [tilespmem:v47+s19+$0x0], $0xffff  }
0xda: {  	v48 =	vld.idx.msk [tilespmem:v48+s19+$0x0], $0xffff  }
0xdb: {  	v51 =	vld.idx.msk [tilespmem:v45+s22+$0x0 ss:$0x1], $0xffff  }
0xdc: {  	v46 =	vld.idx.msk [tilespmem:v63+s19+$0x0], $0xffff;
	_ =	sdelay $0x2  }
0xdd: {  	v47 =	vsub.f32 v49, v47;
	v48 =	vsub.f32 v50, v48;
	_ =	sdelay $0x1  }
0xde: {  	v46 =	vsub.f32 v51, v46;
	v47 =	vmul.f32 v47, v47;
	v48 =	vmul.f32 v48, v48;
	_ =	sdelay $0x1  }
0xdf: {  	v46 =	vmul.f32 v46, v46;
	v47 =	vadd.f32 v48, v47;
	_ =	sdelay $0x1  }
0xe0: {  	s21 =	sadd.s32 $0x1, s21;
	v46 =	vadd.f32 v46, v47  }
0xe1: {  	p0 =	sne.s32 s21, s10  }
.Ltmp2:
0xe2: {  	[tilespmem:s22+$0x2000] =	vst v46;
	(pc) =	sbr.rel @p0 .LBB2_1-.Ltmp2, $4  }
0xe3: {  	[hbm4b:s9+s2] =	stream.linear.scatter [tilespmem:s20], [sflag:$0x2], $0x400, $0x38;
	[tilespmem:$0x2920] =	vst v63  }
0xe4: {  	_ =	swait.ge [sflag:s17], $0x400  }
0xe5: {  	[sflag:s17] =	ssyncset.done $0x0  }
0xe6: {  	[sflag:s17] =	ssyncadd.s32 $0xFFFFFC00  }
0xe7: {  	_ =	sfence.sel $0x180000  }
0xe8: {  	[bflag:$0x0] =	sbarrier.arrive $0xFFFF  }
0xe9: {  	p0 =	sne.s32 s3, $0x0;
	_ =	strace $0x90000047  }
0xea: {  	s0 =	sadd.s32 @!p0 $0x100000, s0;
	[bflag:$0x2] =	sbarrier.arrive $0xFFFF  }
0xeb: {  	[sflag:s0] =	ssyncadd.tile.s32 @!p0 $0x1;
	_ =	shalt  }
.Lfunc_end2:
_tile_overlayer_lowered:
.L_overlay_start_2:
0xec: {  	(tag) =	ssettag $0x2  }
0xed: {  	s0 =	rddreg [dreg:$0x0];
	s2 =	stileid.u32  }
0xee: {  	s1 =	rddreg [dreg:$0x1];
	p0 =	sne.s32 s2, $0x0  }
0xef: {  	s3 =	rddreg [dreg:$0x2];
	[bflag:$0x3] =	sbarrier.arrive $0xFFFF;
	s2 =	simm.s32 @!p0 $0x1C02  }
0xf0: {  	[timem:s3], [sflag:s2] =	dma.local @!p0 [hbm:s0], s1  }
0xf1: {  	s0 =	simm.s32 @!p0 $0x2  }
0xf2: {  	_ =	swait.ge @!p0 [sflag:s0], s1  }
0xf3: {  	s1 =	ssub.s32 @!p0 $0x0, s1;
	[sflag:s0] =	ssyncset.done @!p0 $0x0  }
0xf4: {  	[sflag:s0] =	ssyncadd.s32 @!p0 s1  }
0xf5: {  	[bflag:$0x3] =	sbarrier.arrive $0xFFFF  }
0xf6: {  	_ =	shalt  }

</sc_bundles>
